<compile_context>
chip_gen: v7x
topology: tpu7x:2x2x1
jax: 0.10.2.dev20260603
libtpu: 0.0.44.dev20260713+nightly
codegen_flags: <defaults>
</compile_context>

<pallas_src>
import functools

import jax
import jax.numpy as jnp
from jax import lax
from jax.experimental import pallas as pl
from jax.experimental.pallas import tpu as pltpu
from jax.experimental.pallas import tpu_sc as plsc

F32 = jnp.float32
I32 = jnp.int32

NC = 2
NS = 16
NW = NC * NS
CH = 128

_MESH = plsc.VectorSubcoreMesh(
    core_axis_name="c", subcore_axis_name="s", num_cores=NC, num_subcores=NS)


def _mk_deg_kernel(npad, kch):
    rpt = npad // NS

    @functools.partial(
        pl.kernel,
        out_type=jax.ShapeDtypeStruct((NC * npad,), F32),
        mesh=_MESH,
        scratch_types=[
            pltpu.VMEM((kch, CH), I32),
            pltpu.VMEM((CH,), F32),
            pltpu.VMEM((rpt,), F32),
            pltpu.VMEM_SHARED((npad,), F32),
        ],
    )
    def deg_kernel(dstp_hbm, deg_out, dst_v, ones_v, zbuf, acc_sh):
        cid = lax.axis_index("c")
        sid = lax.axis_index("s")
        wid = cid * NS + sid
        pltpu.sync_copy(dstp_hbm.at[wid], dst_v)
        for i in range(CH // 16):
            ones_v[pl.ds(i * 16, 16)] = jnp.full((16,), 1.0, F32)

        @pl.loop(0, rpt // 16)
        def _(i):
            zbuf[pl.ds(i * 16, 16)] = jnp.zeros((16,), F32)

        pltpu.sync_copy(zbuf, acc_sh.at[pl.ds(sid * rpt, rpt)])
        plsc.subcore_barrier()

        @pl.loop(0, kch)
        def _(j):
            pltpu.sync_copy(ones_v, acc_sh.at[dst_v.at[j]], add=True)

        plsc.subcore_barrier()
        pltpu.sync_copy(acc_sh.at[pl.ds(sid * rpt, rpt)],
                        deg_out.at[pl.ds(cid * npad + sid * rpt, rpt)])

    return deg_kernel


def _mk_scatter_kernel(npad, kch):
    rpt = npad // NS

    @functools.partial(
        pl.kernel,
        out_type=jax.ShapeDtypeStruct((NC, npad, CH), F32),
        mesh=_MESH,
        scratch_types=[
            pltpu.VMEM((kch, CH), I32),
            pltpu.VMEM((kch, CH), I32),
            pltpu.VMEM((CH, CH), F32),
            pltpu.VMEM_SHARED((npad, CH), F32),
        ],
    )
    def scatter_kernel(hs_hbm, srcp_hbm, dstp_hbm, acc_out,
                       src_v, dst_v, buf0, acc_sh):
        cid = lax.axis_index("c")
        sid = lax.axis_index("s")
        wid = cid * NS + sid
        pltpu.sync_copy(srcp_hbm.at[wid], src_v)
        pltpu.sync_copy(dstp_hbm.at[wid], dst_v)

        @pl.loop(0, CH)
        def _(i):
            for k in range(CH // 16):
                buf0[i, pl.ds(k * 16, 16)] = jnp.zeros((16,), F32)

        @pl.loop(0, rpt // CH)
        def _(t):
            pltpu.sync_copy(buf0, acc_sh.at[pl.ds(sid * rpt + t * CH, CH)])

        plsc.subcore_barrier()

        @pl.loop(0, kch)
        def _(j):
            pltpu.sync_copy(hs_hbm.at[src_v.at[j]], buf0)
            pltpu.sync_copy(buf0, acc_sh.at[dst_v.at[j]], add=True)

        plsc.subcore_barrier()
        pltpu.sync_copy(acc_sh.at[pl.ds(sid * rpt, rpt)],
                        acc_out.at[cid, pl.ds(sid * rpt, rpt)])

    return scatter_kernel


def _tc1_body(x_ref, w_ref, degt_ref, hs_ref, dis_ref):
    deg = degt_ref[:, 0:1] + degt_ref[:, 1:2] + 1.0
    dis = lax.rsqrt(deg)
    dis_ref[...] = dis
    hs_ref[...] = jnp.dot(x_ref[...], w_ref[...],
                          preferred_element_type=F32) * dis


def _tc2_body(acc_ref, hs_ref, dis_ref, b_ref, w_ref, out_ref):
    dis = dis_ref[...]
    p = acc_ref[0] + acc_ref[1] + hs_ref[...]
    h = jnp.maximum(p * dis + b_ref[...], 0.0)
    out_ref[...] = jnp.dot(h, w_ref[...], preferred_element_type=F32) * dis


def _tc3_body(acc_ref, hs_ref, dis_ref, b_ref, w_ref, bfc_ref, out_ref):
    p = acc_ref[0] + acc_ref[1] + hs_ref[...]
    h = jnp.maximum(p * dis_ref[...] + b_ref[...], 0.0)
    out_ref[...] = jnp.dot(h, w_ref[...], preferred_element_type=F32) + bfc_ref[...]


def kernel(x, edge_index, W1, b1, W2, b2, Wfc, bfc):
    n, c = x.shape
    e = edge_index.shape[1]

    kch = -(-e // (NW * CH))
    epw = kch * CH
    etot = NW * epw
    npad = -(-(n + 1) // (NS * 16)) * (NS * 16)
    rpt = npad // NS
    rblk = rpt * 4

    ei = edge_index.astype(I32)
    nspare = npad - n
    pad = n + jnp.arange(etot - e, dtype=I32) % nspare
    srcp = jnp.concatenate([ei[0], pad]).reshape(NW, kch, CH)
    dstp = jnp.concatenate([ei[1], pad]).reshape(NW, kch, CH)
    xp = jnp.zeros((npad, c), F32).at[:n].set(x)

    deg_kernel = _mk_deg_kernel(npad, kch)
    scatter_kernel = _mk_scatter_kernel(npad, kch)

    degp = deg_kernel(dstp)
    degt = degp.reshape(NC, npad).T

    grid = (npad // rblk,)
    row_spec = pl.BlockSpec((rblk, CH), lambda i: (i, 0))
    mat_spec = pl.BlockSpec((CH, CH), lambda i: (0, 0))
    vec_spec = pl.BlockSpec((1, CH), lambda i: (0, 0))
    col_spec = pl.BlockSpec((rblk, 1), lambda i: (i, 0))
    acc_spec = pl.BlockSpec((NC, rblk, CH), lambda i: (0, i, 0))
    degt_spec = pl.BlockSpec((rblk, NC), lambda i: (i, 0))

    hs1, dis = pl.pallas_call(
        _tc1_body,
        grid=grid,
        in_specs=[row_spec, mat_spec, degt_spec],
        out_specs=[row_spec, col_spec],
        out_shape=[jax.ShapeDtypeStruct((npad, c), F32),
                   jax.ShapeDtypeStruct((npad, 1), F32)],
    )(xp, W1, degt)

    acc1 = scatter_kernel(hs1, srcp, dstp)

    hs2 = pl.pallas_call(
        _tc2_body,
        grid=grid,
        in_specs=[acc_spec, row_spec, col_spec, vec_spec, mat_spec],
        out_specs=row_spec,
        out_shape=jax.ShapeDtypeStruct((npad, c), F32),
    )(acc1, hs1, dis, b1.reshape(1, c), W2)

    acc2 = scatter_kernel(hs2, srcp, dstp)

    out = pl.pallas_call(
        _tc3_body,
        grid=grid,
        in_specs=[acc_spec, row_spec, col_spec, vec_spec, mat_spec, vec_spec],
        out_specs=row_spec,
        out_shape=jax.ShapeDtypeStruct((n, c), F32),
    )(acc2, hs2, dis, b2.reshape(1, c), Wfc, bfc.reshape(1, c))

    return out

# --- scband reference (transcript-rebuilt; emitter-appended) ---
"""Pipeline reference for scband-gcn-37847251812925 (READ-ONLY COPY).

The authoritative reference and input builder live on the scoring server;
editing this copy changes nothing except your own understanding.
"""

import jax, jax.numpy as jnp
import numpy as np

N_NODES = 10000
N_EDGES = 320000
IN_CH = 128
HID_CH = 128
OUT_CH = 128


def setup_inputs(seed: int = 0) -> dict:
    key = jax.random.key(seed)
    k1, k2, k3, k4, k5 = jax.random.split(key, 5)
    x = jax.random.normal(k1, (N_NODES, IN_CH), dtype=jnp.float32)
    edge_index = jax.random.randint(k2, (2, N_EDGES), 0, N_NODES, dtype=jnp.int64)
    # GCNConv weights (glorot-ish scale) and biases
    W1 = jax.random.normal(k3, (IN_CH, HID_CH), dtype=jnp.float32) * (1.0 / np.sqrt(IN_CH))
    b1 = jnp.zeros((HID_CH,), dtype=jnp.float32)
    W2 = jax.random.normal(k4, (HID_CH, HID_CH), dtype=jnp.float32) * (1.0 / np.sqrt(HID_CH))
    b2 = jnp.zeros((HID_CH,), dtype=jnp.float32)
    Wfc = jax.random.normal(k5, (HID_CH, OUT_CH), dtype=jnp.float32) * (1.0 / np.sqrt(HID_CH))
    bfc = jnp.zeros((OUT_CH,), dtype=jnp.float32)
    return {"x": x, "edge_index": edge_index, "W1": W1, "b1": b1, "W2": W2, "b2": b2, "Wfc": Wfc, "bfc": bfc}


def _gcn_conv(x, edge_index, W, b):
    # Faithful PyG GCNConv: add self-loops, symmetric normalization, scatter-add aggregation
    N = x.shape[0]
    src = edge_index[0]
    dst = edge_index[1]
    loop = jnp.arange(N, dtype=src.dtype)
    src = jnp.concatenate([src, loop])
    dst = jnp.concatenate([dst, loop])
    ones = jnp.ones(dst.shape[0], dtype=x.dtype)
    deg = jax.ops.segment_sum(ones, dst, num_segments=N)
    deg_inv_sqrt = jnp.where(deg > 0, deg ** -0.5, 0.0)
    norm = deg_inv_sqrt[src] * deg_inv_sqrt[dst]
    h = x @ W  # linear transform first (standard GCNConv)
    msg = norm[:, None] * h[src]  # gather
    out = jax.ops.segment_sum(msg, dst, num_segments=N)  # scatter-add
    return out + b


def reference(x, edge_index, W1, b1, W2, b2, Wfc, bfc):
    h = jax.nn.relu(_gcn_conv(x, edge_index, W1, b1))
    # dropout is identity at inference (training=False)
    h = jax.nn.relu(_gcn_conv(h, edge_index, W2, b2))
    return h @ Wfc + bfc

if __name__ == "__main__":
    import jax
    _d = setup_inputs()
    print(jax.jit(kernel)(*tuple(_d.values())))

</pallas_src>

<mosaic_0001>
#map = affine_map<(d0, d1) -> (0, 0)>
#map1 = affine_map<(d0, d1) -> (0, 0, 0)>
module attributes {stable_mosaic.version = 14 : i64} {
  func.func @scatter_kernel(%arg0: i32, %arg1: i32, %arg2: memref<10240x128xf32, #tpu.memory_space<hbm>>, %arg3: memref<32x79x128xi32, #tpu.memory_space<hbm>>, %arg4: memref<32x79x128xi32, #tpu.memory_space<hbm>>, %arg5: memref<2x10240x128xf32, #tpu.memory_space<hbm>>, %arg6: memref<79x128xi32, #tpu.memory_space<vmem>>, %arg7: memref<79x128xi32, #tpu.memory_space<vmem>>, %arg8: memref<128x128xf32, #tpu.memory_space<vmem>>, %arg9: memref<10240x128xf32, #tpu.memory_space<vmem_shared>>) attributes {dimension_semantics = [#tpu.dimension_semantics<core_parallel>, #tpu.dimension_semantics<subcore_parallel>], iteration_bounds = array<i64: 2, 16>, scalar_prefetch = 0 : i64, scratch_operands = 4 : i64, tpu.core_type = #tpu.core_type<sc_vector_subcore>, window_params = [{transform_indices = #map}, {transform_indices = #map1}, {transform_indices = #map1}, {transform_indices = #map1}]} {
    %mul3A = arith.constant 16 : i32
    %mul3A_0 = arith.muli %arg0, %mul3A : i32
    %add3A = arith.addi %mul3A_0, %arg1 : i32
    "tpu.region"() ({
      %run_scoped3A = tpu.sem_alloc : memref<!tpu.dma_semaphore, #tpu.memory_space<semaphore_mem>>
      %dma_start3A = arith.constant 0 : i32
      %dma_start3A_20 = arith.constant 0 : i32
      %dma_start3A_21 = tpu.memref_slice %arg3[%add3A, %dma_start3A, %dma_start3A_20] : memref<32x79x128xi32, #tpu.memory_space<hbm>> -> memref<1x79x128xi32, #tpu.memory_space<hbm>>
      %dma_start3A_22 = tpu.memref_squeeze %dma_start3A_21 : memref<1x79x128xi32, #tpu.memory_space<hbm>> -> memref<79x128xi32, #tpu.memory_space<hbm>>
      %dma_start3A_23 = arith.constant 0 : i32
      %dma_start3A_24 = arith.constant 0 : i32
      %dma_start3A_25 = tpu.memref_slice %arg3[%add3A, %dma_start3A_23, %dma_start3A_24] : memref<32x79x128xi32, #tpu.memory_space<hbm>> -> memref<1x79x128xi32, #tpu.memory_space<hbm>>
      %dma_start3A_26 = tpu.memref_squeeze %dma_start3A_25 : memref<1x79x128xi32, #tpu.memory_space<hbm>> -> memref<79x128xi32, #tpu.memory_space<hbm>>
      tpu.enqueue_dma source(%dma_start3A_26 : memref<79x128xi32, #tpu.memory_space<hbm>>) target(%arg6 : memref<79x128xi32, #tpu.memory_space<vmem>>) target_semaphore(%run_scoped3A : memref<!tpu.dma_semaphore, #tpu.memory_space<semaphore_mem>>)
      %dma_wait3A = arith.constant 0 : i32
      %dma_wait3A_27 = arith.constant 0 : i32
      %dma_wait3A_28 = tpu.memref_slice %arg3[%add3A, %dma_wait3A, %dma_wait3A_27] : memref<32x79x128xi32, #tpu.memory_space<hbm>> -> memref<1x79x128xi32, #tpu.memory_space<hbm>>
      %dma_wait3A_29 = tpu.memref_squeeze %dma_wait3A_28 : memref<1x79x128xi32, #tpu.memory_space<hbm>> -> memref<79x128xi32, #tpu.memory_space<hbm>>
      %dma_wait3A_30 = arith.constant 0 : i32
      %dma_wait3A_31 = arith.constant 0 : i32
      %dma_wait3A_32 = tpu.memref_slice %arg3[%add3A, %dma_wait3A_30, %dma_wait3A_31] : memref<32x79x128xi32, #tpu.memory_space<hbm>> -> memref<1x79x128xi32, #tpu.memory_space<hbm>>
      %dma_wait3A_33 = tpu.memref_squeeze %dma_wait3A_32 : memref<1x79x128xi32, #tpu.memory_space<hbm>> -> memref<79x128xi32, #tpu.memory_space<hbm>>
      tpu.wait_dma2 semaphore(%run_scoped3A : memref<!tpu.dma_semaphore, #tpu.memory_space<semaphore_mem>>) src(%dma_wait3A_33 : memref<79x128xi32, #tpu.memory_space<hbm>>) dst(%arg6 : memref<79x128xi32, #tpu.memory_space<vmem>>)
      tpu.yield
    }) : () -> ()
    "tpu.region"() ({
      %run_scoped3A = tpu.sem_alloc : memref<!tpu.dma_semaphore, #tpu.memory_space<semaphore_mem>>
      %dma_start3A = arith.constant 0 : i32
      %dma_start3A_20 = arith.constant 0 : i32
      %dma_start3A_21 = tpu.memref_slice %arg4[%add3A, %dma_start3A, %dma_start3A_20] : memref<32x79x128xi32, #tpu.memory_space<hbm>> -> memref<1x79x128xi32, #tpu.memory_space<hbm>>
      %dma_start3A_22 = tpu.memref_squeeze %dma_start3A_21 : memref<1x79x128xi32, #tpu.memory_space<hbm>> -> memref<79x128xi32, #tpu.memory_space<hbm>>
      %dma_start3A_23 = arith.constant 0 : i32
      %dma_start3A_24 = arith.constant 0 : i32
      %dma_start3A_25 = tpu.memref_slice %arg4[%add3A, %dma_start3A_23, %dma_start3A_24] : memref<32x79x128xi32, #tpu.memory_space<hbm>> -> memref<1x79x128xi32, #tpu.memory_space<hbm>>
      %dma_start3A_26 = tpu.memref_squeeze %dma_start3A_25 : memref<1x79x128xi32, #tpu.memory_space<hbm>> -> memref<79x128xi32, #tpu.memory_space<hbm>>
      tpu.enqueue_dma source(%dma_start3A_26 : memref<79x128xi32, #tpu.memory_space<hbm>>) target(%arg7 : memref<79x128xi32, #tpu.memory_space<vmem>>) target_semaphore(%run_scoped3A : memref<!tpu.dma_semaphore, #tpu.memory_space<semaphore_mem>>)
      %dma_wait3A = arith.constant 0 : i32
      %dma_wait3A_27 = arith.constant 0 : i32
      %dma_wait3A_28 = tpu.memref_slice %arg4[%add3A, %dma_wait3A, %dma_wait3A_27] : memref<32x79x128xi32, #tpu.memory_space<hbm>> -> memref<1x79x128xi32, #tpu.memory_space<hbm>>
      %dma_wait3A_29 = tpu.memref_squeeze %dma_wait3A_28 : memref<1x79x128xi32, #tpu.memory_space<hbm>> -> memref<79x128xi32, #tpu.memory_space<hbm>>
      %dma_wait3A_30 = arith.constant 0 : i32
      %dma_wait3A_31 = arith.constant 0 : i32
      %dma_wait3A_32 = tpu.memref_slice %arg4[%add3A, %dma_wait3A_30, %dma_wait3A_31] : memref<32x79x128xi32, #tpu.memory_space<hbm>> -> memref<1x79x128xi32, #tpu.memory_space<hbm>>
      %dma_wait3A_33 = tpu.memref_squeeze %dma_wait3A_32 : memref<1x79x128xi32, #tpu.memory_space<hbm>> -> memref<79x128xi32, #tpu.memory_space<hbm>>
      tpu.wait_dma2 semaphore(%run_scoped3A : memref<!tpu.dma_semaphore, #tpu.memory_space<semaphore_mem>>) src(%dma_wait3A_33 : memref<79x128xi32, #tpu.memory_space<hbm>>) dst(%arg7 : memref<79x128xi32, #tpu.memory_space<vmem>>)
      tpu.yield
    }) : () -> ()
    %scan3A = arith.constant 0 : i32
    %scan3A_1 = arith.constant 128 : i32
    %scan3A_2 = arith.addi %scan3A, %scan3A_1 : i32
    %scan3A_3 = arith.constant 1 : i32
    scf.for %scan3A_20 = %scan3A to %scan3A_2 step %scan3A_3  : i32 {
      %mul3A_21 = arith.constant 1 : i32
      %mul3A_22 = arith.muli %scan3A_20, %mul3A_21 : i32
      %add3A_23 = arith.constant 0 : i32
      %add3A_24 = arith.addi %add3A_23, %mul3A_22 : i32
      %broadcast_in_dim3A = arith.constant 0.000000e+00 : f32
      %broadcast_in_dim3A_25 = vector.broadcast %broadcast_in_dim3A : f32 to vector<16xf32>
      %swap3A = arith.index_cast %add3A_24 : i32 to index
      %swap3A_26 = arith.constant 0 : index
      %swap3A_27 = tpu.vector_load %arg8[%swap3A, %swap3A_26] {strides = array<i32>} : memref<128x128xf32, #tpu.memory_space<vmem>>, vector<1x16xf32>,
      %swap3A_28 = vector.shape_cast %swap3A_27 : vector<1x16xf32> to vector<16xf32>
      %swap3A_29 = vector.shape_cast %broadcast_in_dim3A_25 : vector<16xf32> to vector<1x16xf32>
      tpu.vector_store %arg8[%swap3A, %swap3A_26], %swap3A_29 {strides = array<i32>} : memref<128x128xf32, #tpu.memory_space<vmem>>, vector<1x16xf32>,
      %broadcast_in_dim3A_30 = arith.constant 0.000000e+00 : f32
      %broadcast_in_dim3A_31 = vector.broadcast %broadcast_in_dim3A_30 : f32 to vector<16xf32>
      %swap3A_32 = arith.index_cast %add3A_24 : i32 to index
      %swap3A_33 = arith.constant 16 : index
      %swap3A_34 = tpu.vector_load %arg8[%swap3A_32, %swap3A_33] {strides = array<i32>} : memref<128x128xf32, #tpu.memory_space<vmem>>, vector<1x16xf32>,
      %swap3A_35 = vector.shape_cast %swap3A_34 : vector<1x16xf32> to vector<16xf32>
      %swap3A_36 = vector.shape_cast %broadcast_in_dim3A_31 : vector<16xf32> to vector<1x16xf32>
      tpu.vector_store %arg8[%swap3A_32, %swap3A_33], %swap3A_36 {strides = array<i32>} : memref<128x128xf32, #tpu.memory_space<vmem>>, vector<1x16xf32>,
      %broadcast_in_dim3A_37 = arith.constant 0.000000e+00 : f32
      %broadcast_in_dim3A_38 = vector.broadcast %broadcast_in_dim3A_37 : f32 to vector<16xf32>
      %swap3A_39 = arith.index_cast %add3A_24 : i32 to index
      %swap3A_40 = arith.constant 32 : index
      %swap3A_41 = tpu.vector_load %arg8[%swap3A_39, %swap3A_40] {strides = array<i32>} : memref<128x128xf32, #tpu.memory_space<vmem>>, vector<1x16xf32>,
      %swap3A_42 = vector.shape_cast %swap3A_41 : vector<1x16xf32> to vector<16xf32>
      %swap3A_43 = vector.shape_cast %broadcast_in_dim3A_38 : vector<16xf32> to vector<1x16xf32>
      tpu.vector_store %arg8[%swap3A_39, %swap3A_40], %swap3A_43 {strides = array<i32>} : memref<128x128xf32, #tpu.memory_space<vmem>>, vector<1x16xf32>,
      %broadcast_in_dim3A_44 = arith.constant 0.000000e+00 : f32
      %broadcast_in_dim3A_45 = vector.broadcast %broadcast_in_dim3A_44 : f32 to vector<16xf32>
      %swap3A_46 = arith.index_cast %add3A_24 : i32 to index
      %swap3A_47 = arith.constant 48 : index
      %swap3A_48 = tpu.vector_load %arg8[%swap3A_46, %swap3A_47] {strides = array<i32>} : memref<128x128xf32, #tpu.memory_space<vmem>>, vector<1x16xf32>,
      %swap3A_49 = vector.shape_cast %swap3A_48 : vector<1x16xf32> to vector<16xf32>
      %swap3A_50 = vector.shape_cast %broadcast_in_dim3A_45 : vector<16xf32> to vector<1x16xf32>
      tpu.vector_store %arg8[%swap3A_46, %swap3A_47], %swap3A_50 {strides = array<i32>} : memref<128x128xf32, #tpu.memory_space<vmem>>, vector<1x16xf32>,
      %broadcast_in_dim3A_51 = arith.constant 0.000000e+00 : f32
      %broadcast_in_dim3A_52 = vector.broadcast %broadcast_in_dim3A_51 : f32 to vector<16xf32>
      %swap3A_53 = arith.index_cast %add3A_24 : i32 to index
      %swap3A_54 = arith.constant 64 : index
      %swap3A_55 = tpu.vector_load %arg8[%swap3A_53, %swap3A_54] {strides = array<i32>} : memref<128x128xf32, #tpu.memory_space<vmem>>, vector<1x16xf32>,
      %swap3A_56 = vector.shape_cast %swap3A_55 : vector<1x16xf32> to vector<16xf32>
      %swap3A_57 = vector.shape_cast %broadcast_in_dim3A_52 : vector<16xf32> to vector<1x16xf32>
      tpu.vector_store %arg8[%swap3A_53, %swap3A_54], %swap3A_57 {strides = array<i32>} : memref<128x128xf32, #tpu.memory_space<vmem>>, vector<1x16xf32>,
      %broadcast_in_dim3A_58 = arith.constant 0.000000e+00 : f32
      %broadcast_in_dim3A_59 = vector.broadcast %broadcast_in_dim3A_58 : f32 to vector<16xf32>
      %swap3A_60 = arith.index_cast %add3A_24 : i32 to index
      %swap3A_61 = arith.constant 80 : index
      %swap3A_62 = tpu.vector_load %arg8[%swap3A_60, %swap3A_61] {strides = array<i32>} : memref<128x128xf32, #tpu.memory_space<vmem>>, vector<1x16xf32>,
      %swap3A_63 = vector.shape_cast %swap3A_62 : vector<1x16xf32> to vector<16xf32>
      %swap3A_64 = vector.shape_cast %broadcast_in_dim3A_59 : vector<16xf32> to vector<1x16xf32>
      tpu.vector_store %arg8[%swap3A_60, %swap3A_61], %swap3A_64 {strides = array<i32>} : memref<128x128xf32, #tpu.memory_space<vmem>>, vector<1x16xf32>,
      %broadcast_in_dim3A_65 = arith.constant 0.000000e+00 : f32
      %broadcast_in_dim3A_66 = vector.broadcast %broadcast_in_dim3A_65 : f32 to vector<16xf32>
      %swap3A_67 = arith.index_cast %add3A_24 : i32 to index
      %swap3A_68 = arith.constant 96 : index
      %swap3A_69 = tpu.vector_load %arg8[%swap3A_67, %swap3A_68] {strides = array<i32>} : memref<128x128xf32, #tpu.memory_space<vmem>>, vector<1x16xf32>,
      %swap3A_70 = vector.shape_cast %swap3A_69 : vector<1x16xf32> to vector<16xf32>
      %swap3A_71 = vector.shape_cast %broadcast_in_dim3A_66 : vector<16xf32> to vector<1x16xf32>
      tpu.vector_store %arg8[%swap3A_67, %swap3A_68], %swap3A_71 {strides = array<i32>} : memref<128x128xf32, #tpu.memory_space<vmem>>, vector<1x16xf32>,
      %broadcast_in_dim3A_72 = arith.constant 0.000000e+00 : f32
      %broadcast_in_dim3A_73 = vector.broadcast %broadcast_in_dim3A_72 : f32 to vector<16xf32>
      %swap3A_74 = arith.index_cast %add3A_24 : i32 to index
      %swap3A_75 = arith.constant 112 : index
      %swap3A_76 = tpu.vector_load %arg8[%swap3A_74, %swap3A_75] {strides = array<i32>} : memref<128x128xf32, #tpu.memory_space<vmem>>, vector<1x16xf32>,
      %swap3A_77 = vector.shape_cast %swap3A_76 : vector<1x16xf32> to vector<16xf32>
      %swap3A_78 = vector.shape_cast %broadcast_in_dim3A_73 : vector<16xf32> to vector<1x16xf32>
      tpu.vector_store %arg8[%swap3A_74, %swap3A_75], %swap3A_78 {strides = array<i32>} : memref<128x128xf32, #tpu.memory_space<vmem>>, vector<1x16xf32>,
    }
    %scan3A_4 = arith.constant 128 : i32
    %scan3A_5 = arith.constant 0 : i32
    %scan3A_6 = arith.constant 5 : i32
    %scan3A_7 = arith.addi %scan3A_5, %scan3A_6 : i32
    %scan3A_8 = arith.constant 1 : i32
    scf.for %scan3A_20 = %scan3A_5 to %scan3A_7 step %scan3A_8  : i32 {
      %mul3A_21 = arith.constant 1 : i32
      %mul3A_22 = arith.muli %scan3A_20, %mul3A_21 : i32
      %add3A_23 = arith.constant 0 : i32
      %add3A_24 = arith.addi %add3A_23, %mul3A_22 : i32
      %mul3A_25 = arith.constant 640 : i32
      %mul3A_26 = arith.muli %arg1, %mul3A_25 : i32
      %mul3A_27 = arith.constant 128 : i32
      %mul3A_28 = arith.muli %add3A_24, %mul3A_27 : i32
      %add3A_29 = arith.addi %mul3A_26, %mul3A_28 : i32
      "tpu.region"() ({
        %run_scoped3A = tpu.sem_alloc : memref<!tpu.dma_semaphore, #tpu.memory_space<semaphore_mem>>
        %dma_start3A = arith.constant 0 : i32
        %dma_start3A_30 = tpu.memref_slice %arg9[%add3A_29, %dma_start3A] : memref<10240x128xf32, #tpu.memory_space<vmem_shared>> -> memref<128x128xf32, #tpu.memory_space<vmem_shared>>
        %dma_start3A_31 = arith.constant 0 : i32
        %dma_start3A_32 = tpu.memref_slice %arg9[%add3A_29, %dma_start3A_31] : memref<10240x128xf32, #tpu.memory_space<vmem_shared>> -> memref<128x128xf32, #tpu.memory_space<vmem_shared>>
        tpu.enqueue_dma source(%arg8 : memref<128x128xf32, #tpu.memory_space<vmem>>) target(%dma_start3A_32 : memref<128x128xf32, #tpu.memory_space<vmem_shared>>) target_semaphore(%run_scoped3A : memref<!tpu.dma_semaphore, #tpu.memory_space<semaphore_mem>>)
        %dma_wait3A = arith.constant 0 : i32
        %dma_wait3A_33 = tpu.memref_slice %arg9[%add3A_29, %dma_wait3A] : memref<10240x128xf32, #tpu.memory_space<vmem_shared>> -> memref<128x128xf32, #tpu.memory_space<vmem_shared>>
        %dma_wait3A_34 = arith.constant 0 : i32
        %dma_wait3A_35 = tpu.memref_slice %arg9[%add3A_29, %dma_wait3A_34] : memref<10240x128xf32, #tpu.memory_space<vmem_shared>> -> memref<128x128xf32, #tpu.memory_space<vmem_shared>>
        tpu.wait_dma2 semaphore(%run_scoped3A : memref<!tpu.dma_semaphore, #tpu.memory_space<semaphore_mem>>) src(%arg8 : memref<128x128xf32, #tpu.memory_space<vmem>>) dst(%dma_wait3A_35 : memref<128x128xf32, #tpu.memory_space<vmem_shared>>)
        tpu.yield
      }) : () -> ()
    }
    %scan3A_9 = arith.constant 5 : i32
    %barrier3A = arith.constant 0 : index
    tpu.barrier barrier_id(%barrier3A)
    %scan3A_10 = arith.constant 0 : i32
    %scan3A_11 = arith.constant 79 : i32
    %scan3A_12 = arith.addi %scan3A_10, %scan3A_11 : i32
    %scan3A_13 = arith.constant 1 : i32
    scf.for %scan3A_20 = %scan3A_10 to %scan3A_12 step %scan3A_13  : i32 {
      %mul3A_21 = arith.constant 1 : i32
      %mul3A_22 = arith.muli %scan3A_20, %mul3A_21 : i32
      %add3A_23 = arith.constant 0 : i32
      %add3A_24 = arith.addi %add3A_23, %mul3A_22 : i32
      "tpu.region"() ({
        %run_scoped3A = tpu.sem_alloc : memref<!tpu.dma_semaphore, #tpu.memory_space<semaphore_mem>>
        %dma_start3A = arith.constant 0 : i32
        %dma_start3A_25 = tpu.memref_slice %arg6[%add3A_24, %dma_start3A] : memref<79x128xi32, #tpu.memory_space<vmem>> -> memref<1x128xi32, #tpu.memory_space<vmem>>
        %dma_start3A_26 = tpu.memref_squeeze %dma_start3A_25 : memref<1x128xi32, #tpu.memory_space<vmem>> -> memref<128xi32, #tpu.memory_space<vmem>>
        %dma_start3A_27 = arith.constant 0 : i32
        %dma_start3A_28 = arith.constant 0 : i32
        %dma_start3A_29 = tpu.memref_slice %arg2[%dma_start3A_27, %dma_start3A_28] : memref<10240x128xf32, #tpu.memory_space<hbm>> -> memref<10240x128xf32, #tpu.memory_space<hbm>>
        tpu.enqueue_indirect_dma source(%dma_start3A_29 : memref<10240x128xf32, #tpu.memory_space<hbm>>) target(%arg8 : memref<128x128xf32, #tpu.memory_space<vmem>>) offsets(%dma_start3A_26 : memref<128xi32, #tpu.memory_space<vmem>>) semaphore(%run_scoped3A : memref<!tpu.dma_semaphore, #tpu.memory_space<semaphore_mem>>)
        %dma_wait3A = arith.constant 0 : i32
        %dma_wait3A_30 = tpu.memref_slice %arg6[%add3A_24, %dma_wait3A] : memref<79x128xi32, #tpu.memory_space<vmem>> -> memref<1x128xi32, #tpu.memory_space<vmem>>
        %dma_wait3A_31 = tpu.memref_squeeze %dma_wait3A_30 : memref<1x128xi32, #tpu.memory_space<vmem>> -> memref<128xi32, #tpu.memory_space<vmem>>
        %dma_wait3A_32 = arith.constant 0 : i32
        %dma_wait3A_33 = arith.constant 0 : i32
        %dma_wait3A_34 = tpu.memref_slice %arg2[%dma_wait3A_32, %dma_wait3A_33] : memref<10240x128xf32, #tpu.memory_space<hbm>> -> memref<10240x128xf32, #tpu.memory_space<hbm>>
        tpu.wait_indirect_dma semaphore(%run_scoped3A : memref<!tpu.dma_semaphore, #tpu.memory_space<semaphore_mem>>) src(%dma_wait3A_34 : memref<10240x128xf32, #tpu.memory_space<hbm>>) dst(%arg8 : memref<128x128xf32, #tpu.memory_space<vmem>>)
        tpu.yield
      }) : () -> ()
      "tpu.region"() ({
        %run_scoped3A = tpu.sem_alloc : memref<!tpu.dma_semaphore, #tpu.memory_space<semaphore_mem>>
        %dma_start3A = arith.constant 0 : i32
        %dma_start3A_25 = tpu.memref_slice %arg7[%add3A_24, %dma_start3A] : memref<79x128xi32, #tpu.memory_space<vmem>> -> memref<1x128xi32, #tpu.memory_space<vmem>>
        %dma_start3A_26 = tpu.memref_squeeze %dma_start3A_25 : memref<1x128xi32, #tpu.memory_space<vmem>> -> memref<128xi32, #tpu.memory_space<vmem>>
        %dma_start3A_27 = arith.constant 0 : i32
        %dma_start3A_28 = arith.constant 0 : i32
        %dma_start3A_29 = tpu.memref_slice %arg9[%dma_start3A_27, %dma_start3A_28] : memref<10240x128xf32, #tpu.memory_space<vmem_shared>> -> memref<10240x128xf32, #tpu.memory_space<vmem_shared>>
        tpu.enqueue_indirect_dma source(%arg8 : memref<128x128xf32, #tpu.memory_space<vmem>>) target(%dma_start3A_29 : memref<10240x128xf32, #tpu.memory_space<vmem_shared>>) offsets(%dma_start3A_26 : memref<128xi32, #tpu.memory_space<vmem>>) semaphore(%run_scoped3A : memref<!tpu.dma_semaphore, #tpu.memory_space<semaphore_mem>>) {add = true}
        %dma_wait3A = arith.constant 0 : i32
        %dma_wait3A_30 = tpu.memref_slice %arg7[%add3A_24, %dma_wait3A] : memref<79x128xi32, #tpu.memory_space<vmem>> -> memref<1x128xi32, #tpu.memory_space<vmem>>
        %dma_wait3A_31 = tpu.memref_squeeze %dma_wait3A_30 : memref<1x128xi32, #tpu.memory_space<vmem>> -> memref<128xi32, #tpu.memory_space<vmem>>
        %dma_wait3A_32 = arith.constant 0 : i32
        %dma_wait3A_33 = arith.constant 0 : i32
        %dma_wait3A_34 = tpu.memref_slice %arg9[%dma_wait3A_32, %dma_wait3A_33] : memref<10240x128xf32, #tpu.memory_space<vmem_shared>> -> memref<10240x128xf32, #tpu.memory_space<vmem_shared>>
        tpu.wait_indirect_dma semaphore(%run_scoped3A : memref<!tpu.dma_semaphore, #tpu.memory_space<semaphore_mem>>) src(%arg8 : memref<128x128xf32, #tpu.memory_space<vmem>>) dst(%dma_wait3A_34 : memref<10240x128xf32, #tpu.memory_space<vmem_shared>>)
        tpu.yield
      }) : () -> ()
    }
    %scan3A_14 = arith.constant 79 : i32
    %barrier3A_15 = arith.constant 0 : index
    tpu.barrier barrier_id(%barrier3A_15)
    %mul3A_16 = arith.constant 640 : i32
    %mul3A_17 = arith.muli %arg1, %mul3A_16 : i32
    %mul3A_18 = arith.constant 640 : i32
    %mul3A_19 = arith.muli %arg1, %mul3A_18 : i32
    "tpu.region"() ({
      %run_scoped3A = tpu.sem_alloc : memref<!tpu.dma_semaphore, #tpu.memory_space<semaphore_mem>>
      %dma_start3A = arith.constant 0 : i32
      %dma_start3A_20 = tpu.memref_slice %arg5[%arg0, %mul3A_19, %dma_start3A] : memref<2x10240x128xf32, #tpu.memory_space<hbm>> -> memref<1x640x128xf32, #tpu.memory_space<hbm>>
      %dma_start3A_21 = tpu.memref_squeeze %dma_start3A_20 : memref<1x640x128xf32, #tpu.memory_space<hbm>> -> memref<640x128xf32, #tpu.memory_space<hbm>>
      %dma_start3A_22 = arith.constant 0 : i32
      %dma_start3A_23 = tpu.memref_slice %arg9[%mul3A_17, %dma_start3A_22] : memref<10240x128xf32, #tpu.memory_space<vmem_shared>> -> memref<640x128xf32, #tpu.memory_space<vmem_shared>>
      tpu.enqueue_dma source(%dma_start3A_23 : memref<640x128xf32, #tpu.memory_space<vmem_shared>>) target(%dma_start3A_21 : memref<640x128xf32, #tpu.memory_space<hbm>>) target_semaphore(%run_scoped3A : memref<!tpu.dma_semaphore, #tpu.memory_space<semaphore_mem>>)
      %dma_wait3A = arith.constant 0 : i32
      %dma_wait3A_24 = tpu.memref_slice %arg5[%arg0, %mul3A_19, %dma_wait3A] : memref<2x10240x128xf32, #tpu.memory_space<hbm>> -> memref<1x640x128xf32, #tpu.memory_space<hbm>>
      %dma_wait3A_25 = tpu.memref_squeeze %dma_wait3A_24 : memref<1x640x128xf32, #tpu.memory_space<hbm>> -> memref<640x128xf32, #tpu.memory_space<hbm>>
      %dma_wait3A_26 = arith.constant 0 : i32
      %dma_wait3A_27 = tpu.memref_slice %arg9[%mul3A_17, %dma_wait3A_26] : memref<10240x128xf32, #tpu.memory_space<vmem_shared>> -> memref<640x128xf32, #tpu.memory_space<vmem_shared>>
      tpu.wait_dma2 semaphore(%run_scoped3A : memref<!tpu.dma_semaphore, #tpu.memory_space<semaphore_mem>>) src(%dma_wait3A_27 : memref<640x128xf32, #tpu.memory_space<vmem_shared>>) dst(%dma_wait3A_25 : memref<640x128xf32, #tpu.memory_space<hbm>>)
      tpu.yield
    }) : () -> ()
    return
  }
}

#map = affine_map<(d0, d1) -> (0, 0, 0)>
#map1 = affine_map<(d0, d1) -> (0)>
module attributes {stable_mosaic.version = 14 : i64} {
  func.func @deg_kernel(%arg0: i32, %arg1: i32, %arg2: memref<32x79x128xi32, #tpu.memory_space<hbm>>, %arg3: memref<20480xf32, #tpu.memory_space<hbm>>, %arg4: memref<79x128xi32, #tpu.memory_space<vmem>>, %arg5: memref<128xf32, #tpu.memory_space<vmem>>, %arg6: memref<640xf32, #tpu.memory_space<vmem>>, %arg7: memref<10240xf32, #tpu.memory_space<vmem_shared>>) attributes {dimension_semantics = [#tpu.dimension_semantics<core_parallel>, #tpu.dimension_semantics<subcore_parallel>], iteration_bounds = array<i64: 2, 16>, scalar_prefetch = 0 : i64, scratch_operands = 4 : i64, tpu.core_type = #tpu.core_type<sc_vector_subcore>, window_params = [{transform_indices = #map}, {transform_indices = #map1}]} {
    %mul3A = arith.constant 16 : i32
    %mul3A_0 = arith.muli %arg0, %mul3A : i32
    %add3A = arith.addi %mul3A_0, %arg1 : i32
    "tpu.region"() ({
      %run_scoped3A = tpu.sem_alloc : memref<!tpu.dma_semaphore, #tpu.memory_space<semaphore_mem>>
      %dma_start3A = arith.constant 0 : i32
      %dma_start3A_66 = arith.constant 0 : i32
      %dma_start3A_67 = tpu.memref_slice %arg2[%add3A, %dma_start3A, %dma_start3A_66] : memref<32x79x128xi32, #tpu.memory_space<hbm>> -> memref<1x79x128xi32, #tpu.memory_space<hbm>>
      %dma_start3A_68 = tpu.memref_squeeze %dma_start3A_67 : memref<1x79x128xi32, #tpu.memory_space<hbm>> -> memref<79x128xi32, #tpu.memory_space<hbm>>
      %dma_start3A_69 = arith.constant 0 : i32
      %dma_start3A_70 = arith.constant 0 : i32
      %dma_start3A_71 = tpu.memref_slice %arg2[%add3A, %dma_start3A_69, %dma_start3A_70] : memref<32x79x128xi32, #tpu.memory_space<hbm>> -> memref<1x79x128xi32, #tpu.memory_space<hbm>>
      %dma_start3A_72 = tpu.memref_squeeze %dma_start3A_71 : memref<1x79x128xi32, #tpu.memory_space<hbm>> -> memref<79x128xi32, #tpu.memory_space<hbm>>
      tpu.enqueue_dma source(%dma_start3A_72 : memref<79x128xi32, #tpu.memory_space<hbm>>) target(%arg4 : memref<79x128xi32, #tpu.memory_space<vmem>>) target_semaphore(%run_scoped3A : memref<!tpu.dma_semaphore, #tpu.memory_space<semaphore_mem>>)
      %dma_wait3A = arith.constant 0 : i32
      %dma_wait3A_73 = arith.constant 0 : i32
      %dma_wait3A_74 = tpu.memref_slice %arg2[%add3A, %dma_wait3A, %dma_wait3A_73] : memref<32x79x128xi32, #tpu.memory_space<hbm>> -> memref<1x79x128xi32, #tpu.memory_space<hbm>>
      %dma_wait3A_75 = tpu.memref_squeeze %dma_wait3A_74 : memref<1x79x128xi32, #tpu.memory_space<hbm>> -> memref<79x128xi32, #tpu.memory_space<hbm>>
      %dma_wait3A_76 = arith.constant 0 : i32
      %dma_wait3A_77 = arith.constant 0 : i32
      %dma_wait3A_78 = tpu.memref_slice %arg2[%add3A, %dma_wait3A_76, %dma_wait3A_77] : memref<32x79x128xi32, #tpu.memory_space<hbm>> -> memref<1x79x128xi32, #tpu.memory_space<hbm>>
      %dma_wait3A_79 = tpu.memref_squeeze %dma_wait3A_78 : memref<1x79x128xi32, #tpu.memory_space<hbm>> -> memref<79x128xi32, #tpu.memory_space<hbm>>
      tpu.wait_dma2 semaphore(%run_scoped3A : memref<!tpu.dma_semaphore, #tpu.memory_space<semaphore_mem>>) src(%dma_wait3A_79 : memref<79x128xi32, #tpu.memory_space<hbm>>) dst(%arg4 : memref<79x128xi32, #tpu.memory_space<vmem>>)
      tpu.yield
    }) : () -> ()
    %broadcast_in_dim3A = arith.constant 1.000000e+00 : f32
    %broadcast_in_dim3A_1 = vector.broadcast %broadcast_in_dim3A : f32 to vector<16xf32>
    %swap3A = arith.constant 0 : index
    %swap3A_2 = tpu.vector_load %arg5[%swap3A] {strides = array<i32>} : memref<128xf32, #tpu.memory_space<vmem>>, vector<16xf32>,
    %swap3A_3 = vector.shape_cast %swap3A_2 : vector<16xf32> to vector<16xf32>
    %swap3A_4 = vector.shape_cast %broadcast_in_dim3A_1 : vector<16xf32> to vector<16xf32>
    tpu.vector_store %arg5[%swap3A], %swap3A_4 {strides = array<i32>} : memref<128xf32, #tpu.memory_space<vmem>>, vector<16xf32>,
    %broadcast_in_dim3A_5 = arith.constant 1.000000e+00 : f32
    %broadcast_in_dim3A_6 = vector.broadcast %broadcast_in_dim3A_5 : f32 to vector<16xf32>
    %swap3A_7 = arith.constant 16 : index
    %swap3A_8 = tpu.vector_load %arg5[%swap3A_7] {strides = array<i32>} : memref<128xf32, #tpu.memory_space<vmem>>, vector<16xf32>,
    %swap3A_9 = vector.shape_cast %swap3A_8 : vector<16xf32> to vector<16xf32>
    %swap3A_10 = vector.shape_cast %broadcast_in_dim3A_6 : vector<16xf32> to vector<16xf32>
    tpu.vector_store %arg5[%swap3A_7], %swap3A_10 {strides = array<i32>} : memref<128xf32, #tpu.memory_space<vmem>>, vector<16xf32>,
    %broadcast_in_dim3A_11 = arith.constant 1.000000e+00 : f32
    %broadcast_in_dim3A_12 = vector.broadcast %broadcast_in_dim3A_11 : f32 to vector<16xf32>
    %swap3A_13 = arith.constant 32 : index
    %swap3A_14 = tpu.vector_load %arg5[%swap3A_13] {strides = array<i32>} : memref<128xf32, #tpu.memory_space<vmem>>, vector<16xf32>,
    %swap3A_15 = vector.shape_cast %swap3A_14 : vector<16xf32> to vector<16xf32>
    %swap3A_16 = vector.shape_cast %broadcast_in_dim3A_12 : vector<16xf32> to vector<16xf32>
    tpu.vector_store %arg5[%swap3A_13], %swap3A_16 {strides = array<i32>} : memref<128xf32, #tpu.memory_space<vmem>>, vector<16xf32>,
    %broadcast_in_dim3A_17 = arith.constant 1.000000e+00 : f32
    %broadcast_in_dim3A_18 = vector.broadcast %broadcast_in_dim3A_17 : f32 to vector<16xf32>
    %swap3A_19 = arith.constant 48 : index
    %swap3A_20 = tpu.vector_load %arg5[%swap3A_19] {strides = array<i32>} : memref<128xf32, #tpu.memory_space<vmem>>, vector<16xf32>,
    %swap3A_21 = vector.shape_cast %swap3A_20 : vector<16xf32> to vector<16xf32>
    %swap3A_22 = vector.shape_cast %broadcast_in_dim3A_18 : vector<16xf32> to vector<16xf32>
    tpu.vector_store %arg5[%swap3A_19], %swap3A_22 {strides = array<i32>} : memref<128xf32, #tpu.memory_space<vmem>>, vector<16xf32>,
    %broadcast_in_dim3A_23 = arith.constant 1.000000e+00 : f32
    %broadcast_in_dim3A_24 = vector.broadcast %broadcast_in_dim3A_23 : f32 to vector<16xf32>
    %swap3A_25 = arith.constant 64 : index
    %swap3A_26 = tpu.vector_load %arg5[%swap3A_25] {strides = array<i32>} : memref<128xf32, #tpu.memory_space<vmem>>, vector<16xf32>,
    %swap3A_27 = vector.shape_cast %swap3A_26 : vector<16xf32> to vector<16xf32>
    %swap3A_28 = vector.shape_cast %broadcast_in_dim3A_24 : vector<16xf32> to vector<16xf32>
    tpu.vector_store %arg5[%swap3A_25], %swap3A_28 {strides = array<i32>} : memref<128xf32, #tpu.memory_space<vmem>>, vector<16xf32>,
    %broadcast_in_dim3A_29 = arith.constant 1.000000e+00 : f32
    %broadcast_in_dim3A_30 = vector.broadcast %broadcast_in_dim3A_29 : f32 to vector<16xf32>
    %swap3A_31 = arith.constant 80 : index
    %swap3A_32 = tpu.vector_load %arg5[%swap3A_31] {strides = array<i32>} : memref<128xf32, #tpu.memory_space<vmem>>, vector<16xf32>,
    %swap3A_33 = vector.shape_cast %swap3A_32 : vector<16xf32> to vector<16xf32>
    %swap3A_34 = vector.shape_cast %broadcast_in_dim3A_30 : vector<16xf32> to vector<16xf32>
    tpu.vector_store %arg5[%swap3A_31], %swap3A_34 {strides = array<i32>} : memref<128xf32, #tpu.memory_space<vmem>>, vector<16xf32>,
    %broadcast_in_dim3A_35 = arith.constant 1.000000e+00 : f32
    %broadcast_in_dim3A_36 = vector.broadcast %broadcast_in_dim3A_35 : f32 to vector<16xf32>
    %swap3A_37 = arith.constant 96 : index
    %swap3A_38 = tpu.vector_load %arg5[%swap3A_37] {strides = array<i32>} : memref<128xf32, #tpu.memory_space<vmem>>, vector<16xf32>,
    %swap3A_39 = vector.shape_cast %swap3A_38 : vector<16xf32> to vector<16xf32>
    %swap3A_40 = vector.shape_cast %broadcast_in_dim3A_36 : vector<16xf32> to vector<16xf32>
    tpu.vector_store %arg5[%swap3A_37], %swap3A_40 {strides = array<i32>} : memref<128xf32, #tpu.memory_space<vmem>>, vector<16xf32>,
    %broadcast_in_dim3A_41 = arith.constant 1.000000e+00 : f32
    %broadcast_in_dim3A_42 = vector.broadcast %broadcast_in_dim3A_41 : f32 to vector<16xf32>
    %swap3A_43 = arith.constant 112 : index
    %swap3A_44 = tpu.vector_load %arg5[%swap3A_43] {strides = array<i32>} : memref<128xf32, #tpu.memory_space<vmem>>, vector<16xf32>,
    %swap3A_45 = vector.shape_cast %swap3A_44 : vector<16xf32> to vector<16xf32>
    %swap3A_46 = vector.shape_cast %broadcast_in_dim3A_42 : vector<16xf32> to vector<16xf32>
    tpu.vector_store %arg5[%swap3A_43], %swap3A_46 {strides = array<i32>} : memref<128xf32, #tpu.memory_space<vmem>>, vector<16xf32>,
    %scan3A = arith.constant 0 : i32
    %scan3A_47 = arith.constant 40 : i32
    %scan3A_48 = arith.addi %scan3A, %scan3A_47 : i32
    %scan3A_49 = arith.constant 1 : i32
    scf.for %scan3A_66 = %scan3A to %scan3A_48 step %scan3A_49  : i32 {
      %mul3A_67 = arith.constant 1 : i32
      %mul3A_68 = arith.muli %scan3A_66, %mul3A_67 : i32
      %add3A_69 = arith.constant 0 : i32
      %add3A_70 = arith.addi %add3A_69, %mul3A_68 : i32
      %broadcast_in_dim3A_71 = arith.constant 0.000000e+00 : f32
      %broadcast_in_dim3A_72 = vector.broadcast %broadcast_in_dim3A_71 : f32 to vector<16xf32>
      %mul3A_73 = arith.constant 16 : i32
      %mul3A_74 = arith.muli %add3A_70, %mul3A_73 : i32
      %swap3A_75 = arith.index_cast %mul3A_74 : i32 to index
      %swap3A_76 = tpu.vector_load %arg6[%swap3A_75] {strides = array<i32>} : memref<640xf32, #tpu.memory_space<vmem>>, vector<16xf32>,
      %swap3A_77 = vector.shape_cast %swap3A_76 : vector<16xf32> to vector<16xf32>
      %swap3A_78 = vector.shape_cast %broadcast_in_dim3A_72 : vector<16xf32> to vector<16xf32>
      tpu.vector_store %arg6[%swap3A_75], %swap3A_78 {strides = array<i32>} : memref<640xf32, #tpu.memory_space<vmem>>, vector<16xf32>,
    }
    %scan3A_50 = arith.constant 40 : i32
    %mul3A_51 = arith.constant 640 : i32
    %mul3A_52 = arith.muli %arg1, %mul3A_51 : i32
    "tpu.region"() ({
      %run_scoped3A = tpu.sem_alloc : memref<!tpu.dma_semaphore, #tpu.memory_space<semaphore_mem>>
      %dma_start3A = tpu.memref_slice %arg7[%mul3A_52] : memref<10240xf32, #tpu.memory_space<vmem_shared>> -> memref<640xf32, #tpu.memory_space<vmem_shared>>
      %dma_start3A_66 = tpu.memref_slice %arg7[%mul3A_52] : memref<10240xf32, #tpu.memory_space<vmem_shared>> -> memref<640xf32, #tpu.memory_space<vmem_shared>>
      tpu.enqueue_dma source(%arg6 : memref<640xf32, #tpu.memory_space<vmem>>) target(%dma_start3A_66 : memref<640xf32, #tpu.memory_space<vmem_shared>>) target_semaphore(%run_scoped3A : memref<!tpu.dma_semaphore, #tpu.memory_space<semaphore_mem>>)
      %dma_wait3A = tpu.memref_slice %arg7[%mul3A_52] : memref<10240xf32, #tpu.memory_space<vmem_shared>> -> memref<640xf32, #tpu.memory_space<vmem_shared>>
      %dma_wait3A_67 = tpu.memref_slice %arg7[%mul3A_52] : memref<10240xf32, #tpu.memory_space<vmem_shared>> -> memref<640xf32, #tpu.memory_space<vmem_shared>>
      tpu.wait_dma2 semaphore(%run_scoped3A : memref<!tpu.dma_semaphore, #tpu.memory_space<semaphore_mem>>) src(%arg6 : memref<640xf32, #tpu.memory_space<vmem>>) dst(%dma_wait3A_67 : memref<640xf32, #tpu.memory_space<vmem_shared>>)
      tpu.yield
    }) : () -> ()
    %barrier3A = arith.constant 0 : index
    tpu.barrier barrier_id(%barrier3A)
    %scan3A_53 = arith.constant 0 : i32
    %scan3A_54 = arith.constant 79 : i32
    %scan3A_55 = arith.addi %scan3A_53, %scan3A_54 : i32
    %scan3A_56 = arith.constant 1 : i32
    scf.for %scan3A_66 = %scan3A_53 to %scan3A_55 step %scan3A_56  : i32 {
      %mul3A_67 = arith.constant 1 : i32
      %mul3A_68 = arith.muli %scan3A_66, %mul3A_67 : i32
      %add3A_69 = arith.constant 0 : i32
      %add3A_70 = arith.addi %add3A_69, %mul3A_68 : i32
      "tpu.region"() ({
        %run_scoped3A = tpu.sem_alloc : memref<!tpu.dma_semaphore, #tpu.memory_space<semaphore_mem>>
        %dma_start3A = arith.constant 0 : i32
        %dma_start3A_71 = tpu.memref_slice %arg4[%add3A_70, %dma_start3A] : memref<79x128xi32, #tpu.memory_space<vmem>> -> memref<1x128xi32, #tpu.memory_space<vmem>>
        %dma_start3A_72 = tpu.memref_squeeze %dma_start3A_71 : memref<1x128xi32, #tpu.memory_space<vmem>> -> memref<128xi32, #tpu.memory_space<vmem>>
        %dma_start3A_73 = arith.constant 0 : i32
        %dma_start3A_74 = tpu.memref_slice %arg7[%dma_start3A_73] : memref<10240xf32, #tpu.memory_space<vmem_shared>> -> memref<10240xf32, #tpu.memory_space<vmem_shared>>
        tpu.enqueue_indirect_dma source(%arg5 : memref<128xf32, #tpu.memory_space<vmem>>) target(%dma_start3A_74 : memref<10240xf32, #tpu.memory_space<vmem_shared>>) offsets(%dma_start3A_72 : memref<128xi32, #tpu.memory_space<vmem>>) semaphore(%run_scoped3A : memref<!tpu.dma_semaphore, #tpu.memory_space<semaphore_mem>>) {add = true}
        %dma_wait3A = arith.constant 0 : i32
        %dma_wait3A_75 = tpu.memref_slice %arg4[%add3A_70, %dma_wait3A] : memref<79x128xi32, #tpu.memory_space<vmem>> -> memref<1x128xi32, #tpu.memory_space<vmem>>
        %dma_wait3A_76 = tpu.memref_squeeze %dma_wait3A_75 : memref<1x128xi32, #tpu.memory_space<vmem>> -> memref<128xi32, #tpu.memory_space<vmem>>
        %dma_wait3A_77 = arith.constant 0 : i32
        %dma_wait3A_78 = tpu.memref_slice %arg7[%dma_wait3A_77] : memref<10240xf32, #tpu.memory_space<vmem_shared>> -> memref<10240xf32, #tpu.memory_space<vmem_shared>>
        tpu.wait_indirect_dma semaphore(%run_scoped3A : memref<!tpu.dma_semaphore, #tpu.memory_space<semaphore_mem>>) src(%arg5 : memref<128xf32, #tpu.memory_space<vmem>>) dst(%dma_wait3A_78 : memref<10240xf32, #tpu.memory_space<vmem_shared>>)
        tpu.yield
      }) : () -> ()
    }
    %scan3A_57 = arith.constant 79 : i32
    %barrier3A_58 = arith.constant 0 : index
    tpu.barrier barrier_id(%barrier3A_58)
    %mul3A_59 = arith.constant 640 : i32
    %mul3A_60 = arith.muli %arg1, %mul3A_59 : i32
    %mul3A_61 = arith.constant 10240 : i32
    %mul3A_62 = arith.muli %arg0, %mul3A_61 : i32
    %mul3A_63 = arith.constant 640 : i32
    %mul3A_64 = arith.muli %arg1, %mul3A_63 : i32
    %add3A_65 = arith.addi %mul3A_62, %mul3A_64 : i32
    "tpu.region"() ({
      %run_scoped3A = tpu.sem_alloc : memref<!tpu.dma_semaphore, #tpu.memory_space<semaphore_mem>>
      %dma_start3A = tpu.memref_slice %arg3[%add3A_65] : memref<20480xf32, #tpu.memory_space<hbm>> -> memref<640xf32, #tpu.memory_space<hbm>>
      %dma_start3A_66 = tpu.memref_slice %arg7[%mul3A_60] : memref<10240xf32, #tpu.memory_space<vmem_shared>> -> memref<640xf32, #tpu.memory_space<vmem_shared>>
      tpu.enqueue_dma source(%dma_start3A_66 : memref<640xf32, #tpu.memory_space<vmem_shared>>) target(%dma_start3A : memref<640xf32, #tpu.memory_space<hbm>>) target_semaphore(%run_scoped3A : memref<!tpu.dma_semaphore, #tpu.memory_space<semaphore_mem>>)
      %dma_wait3A = tpu.memref_slice %arg3[%add3A_65] : memref<20480xf32, #tpu.memory_space<hbm>> -> memref<640xf32, #tpu.memory_space<hbm>>
      %dma_wait3A_67 = tpu.memref_slice %arg7[%mul3A_60] : memref<10240xf32, #tpu.memory_space<vmem_shared>> -> memref<640xf32, #tpu.memory_space<vmem_shared>>
      tpu.wait_dma2 semaphore(%run_scoped3A : memref<!tpu.dma_semaphore, #tpu.memory_space<semaphore_mem>>) src(%dma_wait3A_67 : memref<640xf32, #tpu.memory_space<vmem_shared>>) dst(%dma_wait3A : memref<640xf32, #tpu.memory_space<hbm>>)
      tpu.yield
    }) : () -> ()
    return
  }
}

#map = affine_map<(d0, d1) -> (0, 0)>
#map1 = affine_map<(d0, d1) -> (0, 0, 0)>
module attributes {stable_mosaic.version = 14 : i64} {
  func.func @scatter_kernel(%arg0: i32, %arg1: i32, %arg2: memref<10240x128xf32, #tpu.memory_space<hbm>>, %arg3: memref<32x79x128xi32, #tpu.memory_space<hbm>>, %arg4: memref<32x79x128xi32, #tpu.memory_space<hbm>>, %arg5: memref<2x10240x128xf32, #tpu.memory_space<hbm>>, %arg6: memref<79x128xi32, #tpu.memory_space<vmem>>, %arg7: memref<79x128xi32, #tpu.memory_space<vmem>>, %arg8: memref<128x128xf32, #tpu.memory_space<vmem>>, %arg9: memref<10240x128xf32, #tpu.memory_space<vmem_shared>>) attributes {dimension_semantics = [#tpu.dimension_semantics<core_parallel>, #tpu.dimension_semantics<subcore_parallel>], iteration_bounds = array<i64: 2, 16>, scalar_prefetch = 0 : i64, scratch_operands = 4 : i64, tpu.core_type = #tpu.core_type<sc_vector_subcore>, window_params = [{transform_indices = #map}, {transform_indices = #map1}, {transform_indices = #map1}, {transform_indices = #map1}]} {
    %mul3A = arith.constant 16 : i32
    %mul3A_0 = arith.muli %arg0, %mul3A : i32
    %add3A = arith.addi %mul3A_0, %arg1 : i32
    "tpu.region"() ({
      %run_scoped3A = tpu.sem_alloc : memref<!tpu.dma_semaphore, #tpu.memory_space<semaphore_mem>>
      %dma_start3A = arith.constant 0 : i32
      %dma_start3A_20 = arith.constant 0 : i32
      %dma_start3A_21 = tpu.memref_slice %arg3[%add3A, %dma_start3A, %dma_start3A_20] : memref<32x79x128xi32, #tpu.memory_space<hbm>> -> memref<1x79x128xi32, #tpu.memory_space<hbm>>
      %dma_start3A_22 = tpu.memref_squeeze %dma_start3A_21 : memref<1x79x128xi32, #tpu.memory_space<hbm>> -> memref<79x128xi32, #tpu.memory_space<hbm>>
      %dma_start3A_23 = arith.constant 0 : i32
      %dma_start3A_24 = arith.constant 0 : i32
      %dma_start3A_25 = tpu.memref_slice %arg3[%add3A, %dma_start3A_23, %dma_start3A_24] : memref<32x79x128xi32, #tpu.memory_space<hbm>> -> memref<1x79x128xi32, #tpu.memory_space<hbm>>
      %dma_start3A_26 = tpu.memref_squeeze %dma_start3A_25 : memref<1x79x128xi32, #tpu.memory_space<hbm>> -> memref<79x128xi32, #tpu.memory_space<hbm>>
      tpu.enqueue_dma source(%dma_start3A_26 : memref<79x128xi32, #tpu.memory_space<hbm>>) target(%arg6 : memref<79x128xi32, #tpu.memory_space<vmem>>) target_semaphore(%run_scoped3A : memref<!tpu.dma_semaphore, #tpu.memory_space<semaphore_mem>>)
      %dma_wait3A = arith.constant 0 : i32
      %dma_wait3A_27 = arith.constant 0 : i32
      %dma_wait3A_28 = tpu.memref_slice %arg3[%add3A, %dma_wait3A, %dma_wait3A_27] : memref<32x79x128xi32, #tpu.memory_space<hbm>> -> memref<1x79x128xi32, #tpu.memory_space<hbm>>
      %dma_wait3A_29 = tpu.memref_squeeze %dma_wait3A_28 : memref<1x79x128xi32, #tpu.memory_space<hbm>> -> memref<79x128xi32, #tpu.memory_space<hbm>>
      %dma_wait3A_30 = arith.constant 0 : i32
      %dma_wait3A_31 = arith.constant 0 : i32
      %dma_wait3A_32 = tpu.memref_slice %arg3[%add3A, %dma_wait3A_30, %dma_wait3A_31] : memref<32x79x128xi32, #tpu.memory_space<hbm>> -> memref<1x79x128xi32, #tpu.memory_space<hbm>>
      %dma_wait3A_33 = tpu.memref_squeeze %dma_wait3A_32 : memref<1x79x128xi32, #tpu.memory_space<hbm>> -> memref<79x128xi32, #tpu.memory_space<hbm>>
      tpu.wait_dma2 semaphore(%run_scoped3A : memref<!tpu.dma_semaphore, #tpu.memory_space<semaphore_mem>>) src(%dma_wait3A_33 : memref<79x128xi32, #tpu.memory_space<hbm>>) dst(%arg6 : memref<79x128xi32, #tpu.memory_space<vmem>>)
      tpu.yield
    }) : () -> ()
    "tpu.region"() ({
      %run_scoped3A = tpu.sem_alloc : memref<!tpu.dma_semaphore, #tpu.memory_space<semaphore_mem>>
      %dma_start3A = arith.constant 0 : i32
      %dma_start3A_20 = arith.constant 0 : i32
      %dma_start3A_21 = tpu.memref_slice %arg4[%add3A, %dma_start3A, %dma_start3A_20] : memref<32x79x128xi32, #tpu.memory_space<hbm>> -> memref<1x79x128xi32, #tpu.memory_space<hbm>>
      %dma_start3A_22 = tpu.memref_squeeze %dma_start3A_21 : memref<1x79x128xi32, #tpu.memory_space<hbm>> -> memref<79x128xi32, #tpu.memory_space<hbm>>
      %dma_start3A_23 = arith.constant 0 : i32
      %dma_start3A_24 = arith.constant 0 : i32
      %dma_start3A_25 = tpu.memref_slice %arg4[%add3A, %dma_start3A_23, %dma_start3A_24] : memref<32x79x128xi32, #tpu.memory_space<hbm>> -> memref<1x79x128xi32, #tpu.memory_space<hbm>>
      %dma_start3A_26 = tpu.memref_squeeze %dma_start3A_25 : memref<1x79x128xi32, #tpu.memory_space<hbm>> -> memref<79x128xi32, #tpu.memory_space<hbm>>
      tpu.enqueue_dma source(%dma_start3A_26 : memref<79x128xi32, #tpu.memory_space<hbm>>) target(%arg7 : memref<79x128xi32, #tpu.memory_space<vmem>>) target_semaphore(%run_scoped3A : memref<!tpu.dma_semaphore, #tpu.memory_space<semaphore_mem>>)
      %dma_wait3A = arith.constant 0 : i32
      %dma_wait3A_27 = arith.constant 0 : i32
      %dma_wait3A_28 = tpu.memref_slice %arg4[%add3A, %dma_wait3A, %dma_wait3A_27] : memref<32x79x128xi32, #tpu.memory_space<hbm>> -> memref<1x79x128xi32, #tpu.memory_space<hbm>>
      %dma_wait3A_29 = tpu.memref_squeeze %dma_wait3A_28 : memref<1x79x128xi32, #tpu.memory_space<hbm>> -> memref<79x128xi32, #tpu.memory_space<hbm>>
      %dma_wait3A_30 = arith.constant 0 : i32
      %dma_wait3A_31 = arith.constant 0 : i32
      %dma_wait3A_32 = tpu.memref_slice %arg4[%add3A, %dma_wait3A_30, %dma_wait3A_31] : memref<32x79x128xi32, #tpu.memory_space<hbm>> -> memref<1x79x128xi32, #tpu.memory_space<hbm>>
      %dma_wait3A_33 = tpu.memref_squeeze %dma_wait3A_32 : memref<1x79x128xi32, #tpu.memory_space<hbm>> -> memref<79x128xi32, #tpu.memory_space<hbm>>
      tpu.wait_dma2 semaphore(%run_scoped3A : memref<!tpu.dma_semaphore, #tpu.memory_space<semaphore_mem>>) src(%dma_wait3A_33 : memref<79x128xi32, #tpu.memory_space<hbm>>) dst(%arg7 : memref<79x128xi32, #tpu.memory_space<vmem>>)
      tpu.yield
    }) : () -> ()
    %scan3A = arith.constant 0 : i32
    %scan3A_1 = arith.constant 128 : i32
    %scan3A_2 = arith.addi %scan3A, %scan3A_1 : i32
    %scan3A_3 = arith.constant 1 : i32
    scf.for %scan3A_20 = %scan3A to %scan3A_2 step %scan3A_3  : i32 {
      %mul3A_21 = arith.constant 1 : i32
      %mul3A_22 = arith.muli %scan3A_20, %mul3A_21 : i32
      %add3A_23 = arith.constant 0 : i32
      %add3A_24 = arith.addi %add3A_23, %mul3A_22 : i32
      %broadcast_in_dim3A = arith.constant 0.000000e+00 : f32
      %broadcast_in_dim3A_25 = vector.broadcast %broadcast_in_dim3A : f32 to vector<16xf32>
      %swap3A = arith.index_cast %add3A_24 : i32 to index
      %swap3A_26 = arith.constant 0 : index
      %swap3A_27 = tpu.vector_load %arg8[%swap3A, %swap3A_26] {strides = array<i32>} : memref<128x128xf32, #tpu.memory_space<vmem>>, vector<1x16xf32>,
      %swap3A_28 = vector.shape_cast %swap3A_27 : vector<1x16xf32> to vector<16xf32>
      %swap3A_29 = vector.shape_cast %broadcast_in_dim3A_25 : vector<16xf32> to vector<1x16xf32>
      tpu.vector_store %arg8[%swap3A, %swap3A_26], %swap3A_29 {strides = array<i32>} : memref<128x128xf32, #tpu.memory_space<vmem>>, vector<1x16xf32>,
      %broadcast_in_dim3A_30 = arith.constant 0.000000e+00 : f32
      %broadcast_in_dim3A_31 = vector.broadcast %broadcast_in_dim3A_30 : f32 to vector<16xf32>
      %swap3A_32 = arith.index_cast %add3A_24 : i32 to index
      %swap3A_33 = arith.constant 16 : index
      %swap3A_34 = tpu.vector_load %arg8[%swap3A_32, %swap3A_33] {strides = array<i32>} : memref<128x128xf32, #tpu.memory_space<vmem>>, vector<1x16xf32>,
      %swap3A_35 = vector.shape_cast %swap3A_34 : vector<1x16xf32> to vector<16xf32>
      %swap3A_36 = vector.shape_cast %broadcast_in_dim3A_31 : vector<16xf32> to vector<1x16xf32>
      tpu.vector_store %arg8[%swap3A_32, %swap3A_33], %swap3A_36 {strides = array<i32>} : memref<128x128xf32, #tpu.memory_space<vmem>>, vector<1x16xf32>,
      %broadcast_in_dim3A_37 = arith.constant 0.000000e+00 : f32
      %broadcast_in_dim3A_38 = vector.broadcast %broadcast_in_dim3A_37 : f32 to vector<16xf32>
      %swap3A_39 = arith.index_cast %add3A_24 : i32 to index
      %swap3A_40 = arith.constant 32 : index
      %swap3A_41 = tpu.vector_load %arg8[%swap3A_39, %swap3A_40] {strides = array<i32>} : memref<128x128xf32, #tpu.memory_space<vmem>>, vector<1x16xf32>,
      %swap3A_42 = vector.shape_cast %swap3A_41 : vector<1x16xf32> to vector<16xf32>
      %swap3A_43 = vector.shape_cast %broadcast_in_dim3A_38 : vector<16xf32> to vector<1x16xf32>
      tpu.vector_store %arg8[%swap3A_39, %swap3A_40], %swap3A_43 {strides = array<i32>} : memref<128x128xf32, #tpu.memory_space<vmem>>, vector<1x16xf32>,
      %broadcast_in_dim3A_44 = arith.constant 0.000000e+00 : f32
      %broadcast_in_dim3A_45 = vector.broadcast %broadcast_in_dim3A_44 : f32 to vector<16xf32>
      %swap3A_46 = arith.index_cast %add3A_24 : i32 to index
      %swap3A_47 = arith.constant 48 : index
      %swap3A_48 = tpu.vector_load %arg8[%swap3A_46, %swap3A_47] {strides = array<i32>} : memref<128x128xf32, #tpu.memory_space<vmem>>, vector<1x16xf32>,
      %swap3A_49 = vector.shape_cast %swap3A_48 : vector<1x16xf32> to vector<16xf32>
      %swap3A_50 = vector.shape_cast %broadcast_in_dim3A_45 : vector<16xf32> to vector<1x16xf32>
      tpu.vector_store %arg8[%swap3A_46, %swap3A_47], %swap3A_50 {strides = array<i32>} : memref<128x128xf32, #tpu.memory_space<vmem>>, vector<1x16xf32>,
      %broadcast_in_dim3A_51 = arith.constant 0.000000e+00 : f32
      %broadcast_in_dim3A_52 = vector.broadcast %broadcast_in_dim3A_51 : f32 to vector<16xf32>
      %swap3A_53 = arith.index_cast %add3A_24 : i32 to index
      %swap3A_54 = arith.constant 64 : index
      %swap3A_55 = tpu.vector_load %arg8[%swap3A_53, %swap3A_54] {strides = array<i32>} : memref<128x128xf32, #tpu.memory_space<vmem>>, vector<1x16xf32>,
      %swap3A_56 = vector.shape_cast %swap3A_55 : vector<1x16xf32> to vector<16xf32>
      %swap3A_57 = vector.shape_cast %broadcast_in_dim3A_52 : vector<16xf32> to vector<1x16xf32>
      tpu.vector_store %arg8[%swap3A_53, %swap3A_54], %swap3A_57 {strides = array<i32>} : memref<128x128xf32, #tpu.memory_space<vmem>>, vector<1x16xf32>,
      %broadcast_in_dim3A_58 = arith.constant 0.000000e+00 : f32
      %broadcast_in_dim3A_59 = vector.broadcast %broadcast_in_dim3A_58 : f32 to vector<16xf32>
      %swap3A_60 = arith.index_cast %add3A_24 : i32 to index
      %swap3A_61 = arith.constant 80 : index
      %swap3A_62 = tpu.vector_load %arg8[%swap3A_60, %swap3A_61] {strides = array<i32>} : memref<128x128xf32, #tpu.memory_space<vmem>>, vector<1x16xf32>,
      %swap3A_63 = vector.shape_cast %swap3A_62 : vector<1x16xf32> to vector<16xf32>
      %swap3A_64 = vector.shape_cast %broadcast_in_dim3A_59 : vector<16xf32> to vector<1x16xf32>
      tpu.vector_store %arg8[%swap3A_60, %swap3A_61], %swap3A_64 {strides = array<i32>} : memref<128x128xf32, #tpu.memory_space<vmem>>, vector<1x16xf32>,
      %broadcast_in_dim3A_65 = arith.constant 0.000000e+00 : f32
      %broadcast_in_dim3A_66 = vector.broadcast %broadcast_in_dim3A_65 : f32 to vector<16xf32>
      %swap3A_67 = arith.index_cast %add3A_24 : i32 to index
      %swap3A_68 = arith.constant 96 : index
      %swap3A_69 = tpu.vector_load %arg8[%swap3A_67, %swap3A_68] {strides = array<i32>} : memref<128x128xf32, #tpu.memory_space<vmem>>, vector<1x16xf32>,
      %swap3A_70 = vector.shape_cast %swap3A_69 : vector<1x16xf32> to vector<16xf32>
      %swap3A_71 = vector.shape_cast %broadcast_in_dim3A_66 : vector<16xf32> to vector<1x16xf32>
      tpu.vector_store %arg8[%swap3A_67, %swap3A_68], %swap3A_71 {strides = array<i32>} : memref<128x128xf32, #tpu.memory_space<vmem>>, vector<1x16xf32>,
      %broadcast_in_dim3A_72 = arith.constant 0.000000e+00 : f32
      %broadcast_in_dim3A_73 = vector.broadcast %broadcast_in_dim3A_72 : f32 to vector<16xf32>
      %swap3A_74 = arith.index_cast %add3A_24 : i32 to index
      %swap3A_75 = arith.constant 112 : index
      %swap3A_76 = tpu.vector_load %arg8[%swap3A_74, %swap3A_75] {strides = array<i32>} : memref<128x128xf32, #tpu.memory_space<vmem>>, vector<1x16xf32>,
      %swap3A_77 = vector.shape_cast %swap3A_76 : vector<1x16xf32> to vector<16xf32>
      %swap3A_78 = vector.shape_cast %broadcast_in_dim3A_73 : vector<16xf32> to vector<1x16xf32>
      tpu.vector_store %arg8[%swap3A_74, %swap3A_75], %swap3A_78 {strides = array<i32>} : memref<128x128xf32, #tpu.memory_space<vmem>>, vector<1x16xf32>,
    }
    %scan3A_4 = arith.constant 128 : i32
    %scan3A_5 = arith.constant 0 : i32
    %scan3A_6 = arith.constant 5 : i32
    %scan3A_7 = arith.addi %scan3A_5, %scan3A_6 : i32
    %scan3A_8 = arith.constant 1 : i32
    scf.for %scan3A_20 = %scan3A_5 to %scan3A_7 step %scan3A_8  : i32 {
      %mul3A_21 = arith.constant 1 : i32
      %mul3A_22 = arith.muli %scan3A_20, %mul3A_21 : i32
      %add3A_23 = arith.constant 0 : i32
      %add3A_24 = arith.addi %add3A_23, %mul3A_22 : i32
      %mul3A_25 = arith.constant 640 : i32
      %mul3A_26 = arith.muli %arg1, %mul3A_25 : i32
      %mul3A_27 = arith.constant 128 : i32
      %mul3A_28 = arith.muli %add3A_24, %mul3A_27 : i32
      %add3A_29 = arith.addi %mul3A_26, %mul3A_28 : i32
      "tpu.region"() ({
        %run_scoped3A = tpu.sem_alloc : memref<!tpu.dma_semaphore, #tpu.memory_space<semaphore_mem>>
        %dma_start3A = arith.constant 0 : i32
        %dma_start3A_30 = tpu.memref_slice %arg9[%add3A_29, %dma_start3A] : memref<10240x128xf32, #tpu.memory_space<vmem_shared>> -> memref<128x128xf32, #tpu.memory_space<vmem_shared>>
        %dma_start3A_31 = arith.constant 0 : i32
        %dma_start3A_32 = tpu.memref_slice %arg9[%add3A_29, %dma_start3A_31] : memref<10240x128xf32, #tpu.memory_space<vmem_shared>> -> memref<128x128xf32, #tpu.memory_space<vmem_shared>>
        tpu.enqueue_dma source(%arg8 : memref<128x128xf32, #tpu.memory_space<vmem>>) target(%dma_start3A_32 : memref<128x128xf32, #tpu.memory_space<vmem_shared>>) target_semaphore(%run_scoped3A : memref<!tpu.dma_semaphore, #tpu.memory_space<semaphore_mem>>)
        %dma_wait3A = arith.constant 0 : i32
        %dma_wait3A_33 = tpu.memref_slice %arg9[%add3A_29, %dma_wait3A] : memref<10240x128xf32, #tpu.memory_space<vmem_shared>> -> memref<128x128xf32, #tpu.memory_space<vmem_shared>>
        %dma_wait3A_34 = arith.constant 0 : i32
        %dma_wait3A_35 = tpu.memref_slice %arg9[%add3A_29, %dma_wait3A_34] : memref<10240x128xf32, #tpu.memory_space<vmem_shared>> -> memref<128x128xf32, #tpu.memory_space<vmem_shared>>
        tpu.wait_dma2 semaphore(%run_scoped3A : memref<!tpu.dma_semaphore, #tpu.memory_space<semaphore_mem>>) src(%arg8 : memref<128x128xf32, #tpu.memory_space<vmem>>) dst(%dma_wait3A_35 : memref<128x128xf32, #tpu.memory_space<vmem_shared>>)
        tpu.yield
      }) : () -> ()
    }
    %scan3A_9 = arith.constant 5 : i32
    %barrier3A = arith.constant 0 : index
    tpu.barrier barrier_id(%barrier3A)
    %scan3A_10 = arith.constant 0 : i32
    %scan3A_11 = arith.constant 79 : i32
    %scan3A_12 = arith.addi %scan3A_10, %scan3A_11 : i32
    %scan3A_13 = arith.constant 1 : i32
    scf.for %scan3A_20 = %scan3A_10 to %scan3A_12 step %scan3A_13  : i32 {
      %mul3A_21 = arith.constant 1 : i32
      %mul3A_22 = arith.muli %scan3A_20, %mul3A_21 : i32
      %add3A_23 = arith.constant 0 : i32
      %add3A_24 = arith.addi %add3A_23, %mul3A_22 : i32
      "tpu.region"() ({
        %run_scoped3A = tpu.sem_alloc : memref<!tpu.dma_semaphore, #tpu.memory_space<semaphore_mem>>
        %dma_start3A = arith.constant 0 : i32
        %dma_start3A_25 = tpu.memref_slice %arg6[%add3A_24, %dma_start3A] : memref<79x128xi32, #tpu.memory_space<vmem>> -> memref<1x128xi32, #tpu.memory_space<vmem>>
        %dma_start3A_26 = tpu.memref_squeeze %dma_start3A_25 : memref<1x128xi32, #tpu.memory_space<vmem>> -> memref<128xi32, #tpu.memory_space<vmem>>
        %dma_start3A_27 = arith.constant 0 : i32
        %dma_start3A_28 = arith.constant 0 : i32
        %dma_start3A_29 = tpu.memref_slice %arg2[%dma_start3A_27, %dma_start3A_28] : memref<10240x128xf32, #tpu.memory_space<hbm>> -> memref<10240x128xf32, #tpu.memory_space<hbm>>
        tpu.enqueue_indirect_dma source(%dma_start3A_29 : memref<10240x128xf32, #tpu.memory_space<hbm>>) target(%arg8 : memref<128x128xf32, #tpu.memory_space<vmem>>) offsets(%dma_start3A_26 : memref<128xi32, #tpu.memory_space<vmem>>) semaphore(%run_scoped3A : memref<!tpu.dma_semaphore, #tpu.memory_space<semaphore_mem>>)
        %dma_wait3A = arith.constant 0 : i32
        %dma_wait3A_30 = tpu.memref_slice %arg6[%add3A_24, %dma_wait3A] : memref<79x128xi32, #tpu.memory_space<vmem>> -> memref<1x128xi32, #tpu.memory_space<vmem>>
        %dma_wait3A_31 = tpu.memref_squeeze %dma_wait3A_30 : memref<1x128xi32, #tpu.memory_space<vmem>> -> memref<128xi32, #tpu.memory_space<vmem>>
        %dma_wait3A_32 = arith.constant 0 : i32
        %dma_wait3A_33 = arith.constant 0 : i32
        %dma_wait3A_34 = tpu.memref_slice %arg2[%dma_wait3A_32, %dma_wait3A_33] : memref<10240x128xf32, #tpu.memory_space<hbm>> -> memref<10240x128xf32, #tpu.memory_space<hbm>>
        tpu.wait_indirect_dma semaphore(%run_scoped3A : memref<!tpu.dma_semaphore, #tpu.memory_space<semaphore_mem>>) src(%dma_wait3A_34 : memref<10240x128xf32, #tpu.memory_space<hbm>>) dst(%arg8 : memref<128x128xf32, #tpu.memory_space<vmem>>)
        tpu.yield
      }) : () -> ()
      "tpu.region"() ({
        %run_scoped3A = tpu.sem_alloc : memref<!tpu.dma_semaphore, #tpu.memory_space<semaphore_mem>>
        %dma_start3A = arith.constant 0 : i32
        %dma_start3A_25 = tpu.memref_slice %arg7[%add3A_24, %dma_start3A] : memref<79x128xi32, #tpu.memory_space<vmem>> -> memref<1x128xi32, #tpu.memory_space<vmem>>
        %dma_start3A_26 = tpu.memref_squeeze %dma_start3A_25 : memref<1x128xi32, #tpu.memory_space<vmem>> -> memref<128xi32, #tpu.memory_space<vmem>>
        %dma_start3A_27 = arith.constant 0 : i32
        %dma_start3A_28 = arith.constant 0 : i32
        %dma_start3A_29 = tpu.memref_slice %arg9[%dma_start3A_27, %dma_start3A_28] : memref<10240x128xf32, #tpu.memory_space<vmem_shared>> -> memref<10240x128xf32, #tpu.memory_space<vmem_shared>>
        tpu.enqueue_indirect_dma source(%arg8 : memref<128x128xf32, #tpu.memory_space<vmem>>) target(%dma_start3A_29 : memref<10240x128xf32, #tpu.memory_space<vmem_shared>>) offsets(%dma_start3A_26 : memref<128xi32, #tpu.memory_space<vmem>>) semaphore(%run_scoped3A : memref<!tpu.dma_semaphore, #tpu.memory_space<semaphore_mem>>) {add = true}
        %dma_wait3A = arith.constant 0 : i32
        %dma_wait3A_30 = tpu.memref_slice %arg7[%add3A_24, %dma_wait3A] : memref<79x128xi32, #tpu.memory_space<vmem>> -> memref<1x128xi32, #tpu.memory_space<vmem>>
        %dma_wait3A_31 = tpu.memref_squeeze %dma_wait3A_30 : memref<1x128xi32, #tpu.memory_space<vmem>> -> memref<128xi32, #tpu.memory_space<vmem>>
        %dma_wait3A_32 = arith.constant 0 : i32
        %dma_wait3A_33 = arith.constant 0 : i32
        %dma_wait3A_34 = tpu.memref_slice %arg9[%dma_wait3A_32, %dma_wait3A_33] : memref<10240x128xf32, #tpu.memory_space<vmem_shared>> -> memref<10240x128xf32, #tpu.memory_space<vmem_shared>>
        tpu.wait_indirect_dma semaphore(%run_scoped3A : memref<!tpu.dma_semaphore, #tpu.memory_space<semaphore_mem>>) src(%arg8 : memref<128x128xf32, #tpu.memory_space<vmem>>) dst(%dma_wait3A_34 : memref<10240x128xf32, #tpu.memory_space<vmem_shared>>)
        tpu.yield
      }) : () -> ()
    }
    %scan3A_14 = arith.constant 79 : i32
    %barrier3A_15 = arith.constant 0 : index
    tpu.barrier barrier_id(%barrier3A_15)
    %mul3A_16 = arith.constant 640 : i32
    %mul3A_17 = arith.muli %arg1, %mul3A_16 : i32
    %mul3A_18 = arith.constant 640 : i32
    %mul3A_19 = arith.muli %arg1, %mul3A_18 : i32
    "tpu.region"() ({
      %run_scoped3A = tpu.sem_alloc : memref<!tpu.dma_semaphore, #tpu.memory_space<semaphore_mem>>
      %dma_start3A = arith.constant 0 : i32
      %dma_start3A_20 = tpu.memref_slice %arg5[%arg0, %mul3A_19, %dma_start3A] : memref<2x10240x128xf32, #tpu.memory_space<hbm>> -> memref<1x640x128xf32, #tpu.memory_space<hbm>>
      %dma_start3A_21 = tpu.memref_squeeze %dma_start3A_20 : memref<1x640x128xf32, #tpu.memory_space<hbm>> -> memref<640x128xf32, #tpu.memory_space<hbm>>
      %dma_start3A_22 = arith.constant 0 : i32
      %dma_start3A_23 = tpu.memref_slice %arg9[%mul3A_17, %dma_start3A_22] : memref<10240x128xf32, #tpu.memory_space<vmem_shared>> -> memref<640x128xf32, #tpu.memory_space<vmem_shared>>
      tpu.enqueue_dma source(%dma_start3A_23 : memref<640x128xf32, #tpu.memory_space<vmem_shared>>) target(%dma_start3A_21 : memref<640x128xf32, #tpu.memory_space<hbm>>) target_semaphore(%run_scoped3A : memref<!tpu.dma_semaphore, #tpu.memory_space<semaphore_mem>>)
      %dma_wait3A = arith.constant 0 : i32
      %dma_wait3A_24 = tpu.memref_slice %arg5[%arg0, %mul3A_19, %dma_wait3A] : memref<2x10240x128xf32, #tpu.memory_space<hbm>> -> memref<1x640x128xf32, #tpu.memory_space<hbm>>
      %dma_wait3A_25 = tpu.memref_squeeze %dma_wait3A_24 : memref<1x640x128xf32, #tpu.memory_space<hbm>> -> memref<640x128xf32, #tpu.memory_space<hbm>>
      %dma_wait3A_26 = arith.constant 0 : i32
      %dma_wait3A_27 = tpu.memref_slice %arg9[%mul3A_17, %dma_wait3A_26] : memref<10240x128xf32, #tpu.memory_space<vmem_shared>> -> memref<640x128xf32, #tpu.memory_space<vmem_shared>>
      tpu.wait_dma2 semaphore(%run_scoped3A : memref<!tpu.dma_semaphore, #tpu.memory_space<semaphore_mem>>) src(%dma_wait3A_27 : memref<640x128xf32, #tpu.memory_space<vmem_shared>>) dst(%dma_wait3A_25 : memref<640x128xf32, #tpu.memory_space<hbm>>)
      tpu.yield
    }) : () -> ()
    return
  }
}

module attributes {stable_mosaic.version = 14 : i64} {
  func.func @_tc1_body(%arg0: i32, %arg1: memref<2560x128xf32, #tpu.memory_space<vmem>>, %arg2: memref<128x128xf32, #tpu.memory_space<vmem>>, %arg3: memref<2560x2xf32, #tpu.memory_space<vmem>>, %arg4: memref<2560x128xf32, #tpu.memory_space<vmem>>, %arg5: memref<2560x1xf32, #tpu.memory_space<vmem>>) attributes {dimension_semantics = [#tpu.dimension_semantics<arbitrary>], iteration_bounds = array<i64: 4>, scalar_prefetch = 0 : i64, scratch_operands = 0 : i64, tpu.core_type = #tpu.core_type<tc>, window_params = [{transform_indices = @transform_0, window_bounds = array<i64: 2560, 128>}, {pipeline_mode = #tpu.pipeline_mode<synchronous>, transform_indices = @transform_1, window_bounds = array<i64: 128, 128>}, {transform_indices = @transform_2, window_bounds = array<i64: 2560, 2>}, {transform_indices = @transform_3, window_bounds = array<i64: 2560, 128>}, {transform_indices = @transform_4, window_bounds = array<i64: 2560, 1>}]} {
    %get3A = arith.constant 0 : index
    %get3A_0 = arith.constant 0 : index
    %get3A_1 = vector.load %arg3[%get3A, %get3A_0] : memref<2560x2xf32, #tpu.memory_space<vmem>>, vector<2560x1xf32>
    %get3A_2 = arith.constant 0 : index
    %get3A_3 = arith.constant 1 : index
    %get3A_4 = vector.load %arg3[%get3A_2, %get3A_3] : memref<2560x2xf32, #tpu.memory_space<vmem>>, vector<2560x1xf32>
    %add3A = arith.addf %get3A_1, %get3A_4 : vector<2560x1xf32>
    %add3A_5 = arith.constant 1.000000e+00 : f32
    %add3A_6 = vector.broadcast %add3A_5 : f32 to vector<2560x1xf32>
    %add3A_7 = arith.addf %add3A, %add3A_6 : vector<2560x1xf32>
    %rsqrt3A = math.rsqrt %add3A_7 : vector<2560x1xf32>
    %swap3A = arith.constant 0 : index
    %swap3A_8 = arith.constant 0 : index
    %swap3A_9 = vector.load %arg5[%swap3A, %swap3A_8] : memref<2560x1xf32, #tpu.memory_space<vmem>>, vector<2560x1xf32>
    tpu.vector_store %arg5[%swap3A, %swap3A_8], %rsqrt3A {strides = array<i32>} : memref<2560x1xf32, #tpu.memory_space<vmem>>, vector<2560x1xf32>,
    %get3A_10 = arith.constant 0 : index
    %get3A_11 = arith.constant 0 : index
    %get3A_12 = vector.load %arg1[%get3A_10, %get3A_11] : memref<2560x128xf32, #tpu.memory_space<vmem>>, vector<2560x128xf32>
    %get3A_13 = arith.constant 0 : index
    %get3A_14 = arith.constant 0 : index
    %get3A_15 = vector.load %arg2[%get3A_13, %get3A_14] : memref<128x128xf32, #tpu.memory_space<vmem>>, vector<128x128xf32>
    %dot_general3A = arith.constant dense<0.000000e+00> : vector<2560x128xf32>
    %dot_general3A_16 = tpu.matmul %get3A_12, %get3A_15, %dot_general3A {dimension_numbers = #tpu.dot_dimension_numbers<[1], [0], [0], [1], [0, 0, 1, 1], [], []>, transpose_lhs_hint = false} : vector<2560x128xf32>, vector<128x128xf32>, vector<2560x128xf32> -> vector<2560x128xf32>
    %mul3A = vector.broadcast %rsqrt3A : vector<2560x1xf32> to vector<2560x128xf32>
    %mul3A_17 = arith.mulf %dot_general3A_16, %mul3A : vector<2560x128xf32>
    %swap3A_18 = arith.constant 0 : index
    %swap3A_19 = arith.constant 0 : index
    %swap3A_20 = vector.load %arg4[%swap3A_18, %swap3A_19] : memref<2560x128xf32, #tpu.memory_space<vmem>>, vector<2560x128xf32>
    tpu.vector_store %arg4[%swap3A_18, %swap3A_19], %mul3A_17 {strides = array<i32>} : memref<2560x128xf32, #tpu.memory_space<vmem>>, vector<2560x128xf32>,
    return
  }
  func.func @transform_0(%arg0: i32) -> (i32, i32) {
    %c0_i32 = arith.constant 0 : i32
    %c0_i32_0 = arith.constant 0 : i32
    return %arg0, %c0_i32 : i32, i32
  }
  func.func @transform_1(%arg0: i32) -> (i32, i32) {
    %c0_i32 = arith.constant 0 : i32
    %c0_i32_0 = arith.constant 0 : i32
    %c0_i32_1 = arith.constant 0 : i32
    return %c0_i32, %c0_i32_0 : i32, i32
  }
  func.func @transform_2(%arg0: i32) -> (i32, i32) {
    %c0_i32 = arith.constant 0 : i32
    %c0_i32_0 = arith.constant 0 : i32
    return %arg0, %c0_i32 : i32, i32
  }
  func.func @transform_3(%arg0: i32) -> (i32, i32) {
    %c0_i32 = arith.constant 0 : i32
    %c0_i32_0 = arith.constant 0 : i32
    return %arg0, %c0_i32 : i32, i32
  }
  func.func @transform_4(%arg0: i32) -> (i32, i32) {
    %c0_i32 = arith.constant 0 : i32
    %c0_i32_0 = arith.constant 0 : i32
    return %arg0, %c0_i32 : i32, i32
  }
}

module attributes {stable_mosaic.version = 14 : i64} {
  func.func @_tc2_body(%arg0: i32, %arg1: memref<2x2560x128xf32, #tpu.memory_space<vmem>>, %arg2: memref<2560x128xf32, #tpu.memory_space<vmem>>, %arg3: memref<2560x1xf32, #tpu.memory_space<vmem>>, %arg4: memref<1x128xf32, #tpu.memory_space<vmem>>, %arg5: memref<128x128xf32, #tpu.memory_space<vmem>>, %arg6: memref<2560x128xf32, #tpu.memory_space<vmem>>) attributes {dimension_semantics = [#tpu.dimension_semantics<arbitrary>], iteration_bounds = array<i64: 4>, scalar_prefetch = 0 : i64, scratch_operands = 0 : i64, tpu.core_type = #tpu.core_type<tc>, window_params = [{transform_indices = @transform_0, window_bounds = array<i64: 2, 2560, 128>}, {transform_indices = @transform_1, window_bounds = array<i64: 2560, 128>}, {transform_indices = @transform_2, window_bounds = array<i64: 2560, 1>}, {pipeline_mode = #tpu.pipeline_mode<synchronous>, transform_indices = @transform_3, window_bounds = array<i64: 1, 128>}, {pipeline_mode = #tpu.pipeline_mode<synchronous>, transform_indices = @transform_4, window_bounds = array<i64: 128, 128>}, {transform_indices = @transform_5, window_bounds = array<i64: 2560, 128>}]} {
    %get3A = arith.constant 0 : index
    %get3A_0 = arith.constant 0 : index
    %get3A_1 = vector.load %arg3[%get3A, %get3A_0] : memref<2560x1xf32, #tpu.memory_space<vmem>>, vector<2560x1xf32>
    %get3A_2 = arith.constant 0 : index
    %get3A_3 = arith.constant 0 : index
    %get3A_4 = arith.constant 0 : index
    %get3A_5 = vector.load %arg1[%get3A_2, %get3A_3, %get3A_4] : memref<2x2560x128xf32, #tpu.memory_space<vmem>>, vector<1x2560x128xf32>
    %get3A_6 = vector.shape_cast %get3A_5 : vector<1x2560x128xf32> to vector<2560x128xf32>
    %get3A_7 = arith.constant 1 : index
    %get3A_8 = arith.constant 0 : index
    %get3A_9 = arith.constant 0 : index
    %get3A_10 = vector.load %arg1[%get3A_7, %get3A_8, %get3A_9] : memref<2x2560x128xf32, #tpu.memory_space<vmem>>, vector<1x2560x128xf32>
    %get3A_11 = vector.shape_cast %get3A_10 : vector<1x2560x128xf32> to vector<2560x128xf32>
    %add3A = arith.addf %get3A_6, %get3A_11 : vector<2560x128xf32>
    %get3A_12 = arith.constant 0 : index
    %get3A_13 = arith.constant 0 : index
    %get3A_14 = vector.load %arg2[%get3A_12, %get3A_13] : memref<2560x128xf32, #tpu.memory_space<vmem>>, vector<2560x128xf32>
    %add3A_15 = arith.addf %add3A, %get3A_14 : vector<2560x128xf32>
    %mul3A = vector.broadcast %get3A_1 : vector<2560x1xf32> to vector<2560x128xf32>
    %mul3A_16 = arith.mulf %add3A_15, %mul3A : vector<2560x128xf32>
    %get3A_17 = arith.constant 0 : index
    %get3A_18 = arith.constant 0 : index
    %get3A_19 = vector.load %arg4[%get3A_17, %get3A_18] : memref<1x128xf32, #tpu.memory_space<vmem>>, vector<1x128xf32>
    %add3A_20 = vector.broadcast %get3A_19 : vector<1x128xf32> to vector<2560x128xf32>
    %add3A_21 = arith.addf %mul3A_16, %add3A_20 : vector<2560x128xf32>
    %max3A = arith.constant 0.000000e+00 : f32
    %max3A_22 = vector.broadcast %max3A : f32 to vector<2560x128xf32>
    %max3A_23 = arith.maximumf %add3A_21, %max3A_22 : vector<2560x128xf32>
    %get3A_24 = arith.constant 0 : index
    %get3A_25 = arith.constant 0 : index
    %get3A_26 = vector.load %arg5[%get3A_24, %get3A_25] : memref<128x128xf32, #tpu.memory_space<vmem>>, vector<128x128xf32>
    %dot_general3A = arith.constant dense<0.000000e+00> : vector<2560x128xf32>
    %dot_general3A_27 = tpu.matmul %max3A_23, %get3A_26, %dot_general3A {dimension_numbers = #tpu.dot_dimension_numbers<[1], [0], [0], [1], [0, 0, 1, 1], [], []>, transpose_lhs_hint = false} : vector<2560x128xf32>, vector<128x128xf32>, vector<2560x128xf32> -> vector<2560x128xf32>
    %mul3A_28 = vector.broadcast %get3A_1 : vector<2560x1xf32> to vector<2560x128xf32>
    %mul3A_29 = arith.mulf %dot_general3A_27, %mul3A_28 : vector<2560x128xf32>
    %swap3A = arith.constant 0 : index
    %swap3A_30 = arith.constant 0 : index
    %swap3A_31 = vector.load %arg6[%swap3A, %swap3A_30] : memref<2560x128xf32, #tpu.memory_space<vmem>>, vector<2560x128xf32>
    tpu.vector_store %arg6[%swap3A, %swap3A_30], %mul3A_29 {strides = array<i32>} : memref<2560x128xf32, #tpu.memory_space<vmem>>, vector<2560x128xf32>,
    return
  }
  func.func @transform_0(%arg0: i32) -> (i32, i32, i32) {
    %c0_i32 = arith.constant 0 : i32
    %c0_i32_0 = arith.constant 0 : i32
    %c0_i32_1 = arith.constant 0 : i32
    return %c0_i32, %arg0, %c0_i32_0 : i32, i32, i32
  }
  func.func @transform_1(%arg0: i32) -> (i32, i32) {
    %c0_i32 = arith.constant 0 : i32
    %c0_i32_0 = arith.constant 0 : i32
    return %arg0, %c0_i32 : i32, i32
  }
  func.func @transform_2(%arg0: i32) -> (i32, i32) {
    %c0_i32 = arith.constant 0 : i32
    %c0_i32_0 = arith.constant 0 : i32
    return %arg0, %c0_i32 : i32, i32
  }
  func.func @transform_3(%arg0: i32) -> (i32, i32) {
    %c0_i32 = arith.constant 0 : i32
    %c0_i32_0 = arith.constant 0 : i32
    %c0_i32_1 = arith.constant 0 : i32
    return %c0_i32, %c0_i32_0 : i32, i32
  }
  func.func @transform_4(%arg0: i32) -> (i32, i32) {
    %c0_i32 = arith.constant 0 : i32
    %c0_i32_0 = arith.constant 0 : i32
    %c0_i32_1 = arith.constant 0 : i32
    return %c0_i32, %c0_i32_0 : i32, i32
  }
  func.func @transform_5(%arg0: i32) -> (i32, i32) {
    %c0_i32 = arith.constant 0 : i32
    %c0_i32_0 = arith.constant 0 : i32
    return %arg0, %c0_i32 : i32, i32
  }
}

module attributes {stable_mosaic.version = 14 : i64} {
  func.func @_tc3_body(%arg0: i32, %arg1: memref<2x2560x128xf32, #tpu.memory_space<vmem>>, %arg2: memref<2560x128xf32, #tpu.memory_space<vmem>>, %arg3: memref<2560x1xf32, #tpu.memory_space<vmem>>, %arg4: memref<1x128xf32, #tpu.memory_space<vmem>>, %arg5: memref<128x128xf32, #tpu.memory_space<vmem>>, %arg6: memref<1x128xf32, #tpu.memory_space<vmem>>, %arg7: memref<2560x128xf32, #tpu.memory_space<vmem>>) attributes {dimension_semantics = [#tpu.dimension_semantics<arbitrary>], iteration_bounds = array<i64: 4>, scalar_prefetch = 0 : i64, scratch_operands = 0 : i64, tpu.core_type = #tpu.core_type<tc>, window_params = [{transform_indices = @transform_0, window_bounds = array<i64: 2, 2560, 128>}, {transform_indices = @transform_1, window_bounds = array<i64: 2560, 128>}, {transform_indices = @transform_2, window_bounds = array<i64: 2560, 1>}, {pipeline_mode = #tpu.pipeline_mode<synchronous>, transform_indices = @transform_3, window_bounds = array<i64: 1, 128>}, {pipeline_mode = #tpu.pipeline_mode<synchronous>, transform_indices = @transform_4, window_bounds = array<i64: 128, 128>}, {pipeline_mode = #tpu.pipeline_mode<synchronous>, transform_indices = @transform_5, window_bounds = array<i64: 1, 128>}, {transform_indices = @transform_6, window_bounds = array<i64: 2560, 128>}]} {
    %get3A = arith.constant 0 : index
    %get3A_0 = arith.constant 0 : index
    %get3A_1 = arith.constant 0 : index
    %get3A_2 = vector.load %arg1[%get3A, %get3A_0, %get3A_1] : memref<2x2560x128xf32, #tpu.memory_space<vmem>>, vector<1x2560x128xf32>
    %get3A_3 = vector.shape_cast %get3A_2 : vector<1x2560x128xf32> to vector<2560x128xf32>
    %get3A_4 = arith.constant 1 : index
    %get3A_5 = arith.constant 0 : index
    %get3A_6 = arith.constant 0 : index
    %get3A_7 = vector.load %arg1[%get3A_4, %get3A_5, %get3A_6] : memref<2x2560x128xf32, #tpu.memory_space<vmem>>, vector<1x2560x128xf32>
    %get3A_8 = vector.shape_cast %get3A_7 : vector<1x2560x128xf32> to vector<2560x128xf32>
    %add3A = arith.addf %get3A_3, %get3A_8 : vector<2560x128xf32>
    %get3A_9 = arith.constant 0 : index
    %get3A_10 = arith.constant 0 : index
    %get3A_11 = vector.load %arg2[%get3A_9, %get3A_10] : memref<2560x128xf32, #tpu.memory_space<vmem>>, vector<2560x128xf32>
    %add3A_12 = arith.addf %add3A, %get3A_11 : vector<2560x128xf32>
    %get3A_13 = arith.constant 0 : index
    %get3A_14 = arith.constant 0 : index
    %get3A_15 = vector.load %arg3[%get3A_13, %get3A_14] : memref<2560x1xf32, #tpu.memory_space<vmem>>, vector<2560x1xf32>
    %mul3A = vector.broadcast %get3A_15 : vector<2560x1xf32> to vector<2560x128xf32>
    %mul3A_16 = arith.mulf %add3A_12, %mul3A : vector<2560x128xf32>
    %get3A_17 = arith.constant 0 : index
    %get3A_18 = arith.constant 0 : index
    %get3A_19 = vector.load %arg4[%get3A_17, %get3A_18] : memref<1x128xf32, #tpu.memory_space<vmem>>, vector<1x128xf32>
    %add3A_20 = vector.broadcast %get3A_19 : vector<1x128xf32> to vector<2560x128xf32>
    %add3A_21 = arith.addf %mul3A_16, %add3A_20 : vector<2560x128xf32>
    %max3A = arith.constant 0.000000e+00 : f32
    %max3A_22 = vector.broadcast %max3A : f32 to vector<2560x128xf32>
    %max3A_23 = arith.maximumf %add3A_21, %max3A_22 : vector<2560x128xf32>
    %get3A_24 = arith.constant 0 : index
    %get3A_25 = arith.constant 0 : index
    %get3A_26 = vector.load %arg5[%get3A_24, %get3A_25] : memref<128x128xf32, #tpu.memory_space<vmem>>, vector<128x128xf32>
    %dot_general3A = arith.constant dense<0.000000e+00> : vector<2560x128xf32>
    %dot_general3A_27 = tpu.matmul %max3A_23, %get3A_26, %dot_general3A {dimension_numbers = #tpu.dot_dimension_numbers<[1], [0], [0], [1], [0, 0, 1, 1], [], []>, transpose_lhs_hint = false} : vector<2560x128xf32>, vector<128x128xf32>, vector<2560x128xf32> -> vector<2560x128xf32>
    %get3A_28 = arith.constant 0 : index
    %get3A_29 = arith.constant 0 : index
    %get3A_30 = vector.load %arg6[%get3A_28, %get3A_29] : memref<1x128xf32, #tpu.memory_space<vmem>>, vector<1x128xf32>
    %add3A_31 = vector.broadcast %get3A_30 : vector<1x128xf32> to vector<2560x128xf32>
    %add3A_32 = arith.addf %dot_general3A_27, %add3A_31 : vector<2560x128xf32>
    %swap3A = arith.constant 0 : index
    %swap3A_33 = arith.constant 0 : index
    %swap3A_34 = vector.load %arg7[%swap3A, %swap3A_33] : memref<2560x128xf32, #tpu.memory_space<vmem>>, vector<2560x128xf32>
    tpu.vector_store %arg7[%swap3A, %swap3A_33], %add3A_32 {strides = array<i32>} : memref<2560x128xf32, #tpu.memory_space<vmem>>, vector<2560x128xf32>,
    return
  }
  func.func @transform_0(%arg0: i32) -> (i32, i32, i32) {
    %c0_i32 = arith.constant 0 : i32
    %c0_i32_0 = arith.constant 0 : i32
    %c0_i32_1 = arith.constant 0 : i32
    return %c0_i32, %arg0, %c0_i32_0 : i32, i32, i32
  }
  func.func @transform_1(%arg0: i32) -> (i32, i32) {
    %c0_i32 = arith.constant 0 : i32
    %c0_i32_0 = arith.constant 0 : i32
    return %arg0, %c0_i32 : i32, i32
  }
  func.func @transform_2(%arg0: i32) -> (i32, i32) {
    %c0_i32 = arith.constant 0 : i32
    %c0_i32_0 = arith.constant 0 : i32
    return %arg0, %c0_i32 : i32, i32
  }
  func.func @transform_3(%arg0: i32) -> (i32, i32) {
    %c0_i32 = arith.constant 0 : i32
    %c0_i32_0 = arith.constant 0 : i32
    %c0_i32_1 = arith.constant 0 : i32
    return %c0_i32, %c0_i32_0 : i32, i32
  }
  func.func @transform_4(%arg0: i32) -> (i32, i32) {
    %c0_i32 = arith.constant 0 : i32
    %c0_i32_0 = arith.constant 0 : i32
    %c0_i32_1 = arith.constant 0 : i32
    return %c0_i32, %c0_i32_0 : i32, i32
  }
  func.func @transform_5(%arg0: i32) -> (i32, i32) {
    %c0_i32 = arith.constant 0 : i32
    %c0_i32_0 = arith.constant 0 : i32
    %c0_i32_1 = arith.constant 0 : i32
    return %c0_i32, %c0_i32_0 : i32, i32
  }
  func.func @transform_6(%arg0: i32) -> (i32, i32) {
    %c0_i32 = arith.constant 0 : i32
    %c0_i32_0 = arith.constant 0 : i32
    return %arg0, %c0_i32 : i32, i32
  }
}

</mosaic_0001>

<sc_bundles>
// kernel: kernel.11.cloned.1.call-start
scs
__scs_entry_jumppad:
0x0: {  	(pc) =	sbr.rel $0x88, $3  }
0x1: {  	(tag) =	ssettag $0x0;
	lr =	simm.s32 $0x1  }
0x2: {  	[smem:$0x3F99] =	sst lr;
	_ =	strace $0xD0000000  }
0x3: {  	_ = 	snop  }
0x4: {  	_ = 	snop  }
0x5: {  	_ = 	snop  }
0x6: {  	_ = 	snop  }
0x7: {  	_ = 	snop  }
__scs_overlays_trampoline_lowered:
0x8: {  	[smem:$0x3FA8] =	sst s0  }
0x9: {  	[smem:$0x3FA9] =	sst s1  }
0xa: {  	[smem:$0x3FAA] =	sst s2  }
0xb: {  	[smem:$0x3FAB] =	sst s3  }
0xc: {  	[smem:$0x3FAC] =	sst s4  }
0xd: {  	[smem:$0x3FAD] =	sst s5  }
0xe: {  	[smem:$0x3FAE] =	sst s6  }
0xf: {  	[smem:$0x3FAF] =	sst s7  }
0x10: {  	[smem:$0x3FB0] =	sst s8  }
0x11: {  	[smem:$0x3FB1] =	sst s9;
	s0 =	simm.s32 @!p0 $0x0  }
0x12: {  	s1 =	sld [smem:$0x3F97];
	s0 =	simm.s32 @p0 $0x1  }
0x13: {  	[smem:$0x3FB2] =	sst s0;
	s0 =	simm.s32 @!p1 $0x0  }
0x14: {  	s2 =	sld [smem:$0x3F96];
	s0 =	simm.s32 @p1 $0x1  }
0x15: {  	[smem:$0x3FB3] =	sst s0;
	s0 =	simm.s32 @!p2 $0x0  }
0x16: {  	s3 =	sld [smem:$0x3FDB];
	s0 =	simm.s32 @p2 $0x1  }
0x17: {  	s4 =	simm.s32 $0x1BF5;
	[smem:$0x3FB5] =	sst s0  }
0x18: {  	s0 =	sld [smem:$0x3F98];
	_ =	swait.ge [sflag:s4], $0x0  }
0x19: {  	s7 =	sld [smem:$0x3F99]  }
0x1a: {  	s8 =	sadd.s32 $0xFFFFE003, lr  }
0x1b: {  	s9 =	sadd.s32 $0xFFFFFEF7, lr;
	s5 =	simm.s32 $0xFFFFFFFF;
	p2 =	slt.u32 s8, $0xFFFFF086  }
0x1c: {  	p1 =	slt.u32 s9, $0xF7A;
	s5 =	simm.s32 @!p2 $0x0  }
0x1d: {  	s5 =	simm.s32 @p1 $0x1;
	p0 =	seq.s32 s7, s2  }
0x1e: {  	s7 =	smul.u32 @!p0 $0xF7A, s2;
	p2 =	seq.s32 @!p0 s5, $0x0  }
0x1f: {  	s9 =	smul.u32 $0xF7A, s1;
	s8 =	simm.s32 @!p0 $0x1BF5;
	p2 =	por !p2, p0  }
0x20: {  	[sflag:s8] =	ssyncset.s32 @!p0 $0xFFFFF086;
	s6 =	sadd.s32 @!p0 s3, s7;
	s7 =	simm.s32 @!p0 $0x108  }
0x21: {  	s3 =	sadd.s32 s3, s9;
	s6 =	sadd.s32 @!p0 $0x88, s6;
	s7 =	simm.s32 @p2 $0x1082  }
0x22: {  	[simem:s7], [sflag:s8] =	dma.local @!p0 [hbm:s6], $0xF7A  }
0x23: {  	s9 =	sor.u32 $0xD0000000, s2;
	s6 =	simm.s32 $0x108;
	_ =	swait.ge @!p0 [sflag:s8], $0x0  }
0x24: {  	s3 =	sadd.s32 $0x88, s3;
	s6 =	simm.s32 @!p1 $0x1082;
	[sflag:s4] =	ssyncset.s32 $0xFFFFF086  }
0x25: {  	[simem:s6], [sflag:s4] =	dma.local [hbm:s3], $0xF7A  }
0x26: {  	[smem:$0x3F99] =	sst s1;
	(tag) =	ssettag s2;
	_ =	strace s9  }
0x27: {  	s1 =	sld [smem:$0x3FA9]  }
0x28: {  	s2 =	sld [smem:$0x3FAA]  }
0x29: {  	s4 =	sld [smem:$0x3FAC]  }
0x2a: {  	p0 =	seq.s32 s5, $0x0;
	s5 =	sld [smem:$0x3FAD]  }
0x2b: {  	s6 =	sld [smem:$0x3FAE]  }
0x2c: {  	s7 =	sld [smem:$0x3FAF]  }
0x2d: {  	s3 =	simm.s32 $0x108;
	s8 =	sld [smem:$0x3FB0]  }
0x2e: {  	s3 =	simm.s32 @!p0 $0x1082;
	s9 =	sld [smem:$0x3FB1]  }
0x2f: {  	lr =	sadd.s32 s0, s3;
	s0 =	sld [smem:$0x3FA8]  }
0x30: {  	s3 =	sld [smem:$0x3FAB]  }
0x31: {  	[smem:$0x3FB4] =	sst s10  }
0x32: {  	s10 =	sld [smem:$0x3FB2];
	_ =	sdelay $0x3  }
0x33: {  	p0 =	seq.s32 s10, $0x1;
	s10 =	sld [smem:$0x3FB4];
	_ =	sdelay $0x3  }
0x34: {  	[smem:$0x3FB4] =	sst s10  }
0x35: {  	s10 =	sld [smem:$0x3FB3];
	_ =	sdelay $0x3  }
0x36: {  	p1 =	seq.s32 s10, $0x1;
	s10 =	sld [smem:$0x3FB4];
	_ =	sdelay $0x3  }
0x37: {  	[smem:$0x3FB4] =	sst s10  }
0x38: {  	s10 =	sld [smem:$0x3FB5]  }
0x39: {  	_ = 	snop;
	(pc) =	sbr.ind lr, $3  }
0x3a: {  	_ = 	snop  }
0x3b: {  	_ = 	snop  }
0x3c: {  	p2 =	seq.s32 s10, $0x1;
	s10 =	sld [smem:$0x3FB4]  }
0x3d: {  	_ =	shalt  }
0x3e: {  	_ =	shalt  }
0x3f: {  	_ =	shalt  }
0x40: {  	_ =	shalt  }
0x41: {  	_ =	shalt  }
0x42: {  	_ =	shalt  }
0x43: {  	_ =	shalt  }
0x44: {  	_ =	shalt  }
0x45: {  	_ =	shalt  }
0x46: {  	_ =	shalt  }
0x47: {  	_ =	shalt  }
0x48: {  	_ =	shalt  }
0x49: {  	_ =	shalt  }
0x4a: {  	_ =	shalt  }
0x4b: {  	_ =	shalt  }
0x4c: {  	_ =	shalt  }
0x4d: {  	_ =	shalt  }
0x4e: {  	_ =	shalt  }
0x4f: {  	_ =	shalt  }
0x50: {  	_ =	shalt  }
0x51: {  	_ =	shalt  }
0x52: {  	_ =	shalt  }
0x53: {  	_ =	shalt  }
0x54: {  	_ =	shalt  }
0x55: {  	_ =	shalt  }
0x56: {  	_ =	shalt  }
0x57: {  	_ =	shalt  }
0x58: {  	_ =	shalt  }
0x59: {  	_ =	shalt  }
0x5a: {  	_ =	shalt  }
0x5b: {  	_ =	shalt  }
0x5c: {  	_ =	shalt  }
0x5d: {  	_ =	shalt  }
0x5e: {  	_ =	shalt  }
0x5f: {  	_ =	shalt  }
0x60: {  	_ =	shalt  }
0x61: {  	_ =	shalt  }
0x62: {  	_ =	shalt  }
0x63: {  	_ =	shalt  }
0x64: {  	_ =	shalt  }
0x65: {  	_ =	shalt  }
0x66: {  	_ =	shalt  }
0x67: {  	_ =	shalt  }
0x68: {  	_ =	shalt  }
0x69: {  	_ =	shalt  }
0x6a: {  	_ =	shalt  }
0x6b: {  	_ =	shalt  }
0x6c: {  	_ =	shalt  }
0x6d: {  	_ =	shalt  }
0x6e: {  	_ =	shalt  }
0x6f: {  	_ =	shalt  }
0x70: {  	_ =	shalt  }
0x71: {  	_ =	shalt  }
0x72: {  	_ =	shalt  }
0x73: {  	_ =	shalt  }
0x74: {  	_ =	shalt  }
0x75: {  	_ =	shalt  }
0x76: {  	_ =	shalt  }
0x77: {  	_ =	shalt  }
0x78: {  	_ =	shalt  }
0x79: {  	_ =	shalt  }
0x7a: {  	_ =	shalt  }
0x7b: {  	_ =	shalt  }
0x7c: {  	_ =	shalt  }
0x7d: {  	_ =	shalt  }
0x7e: {  	_ =	shalt  }
0x7f: {  	_ =	shalt  }
0x80: {  	_ =	shalt  }
0x81: {  	_ =	shalt  }
0x82: {  	_ =	shalt  }
0x83: {  	_ =	shalt  }
0x84: {  	_ =	shalt  }
0x85: {  	_ =	shalt  }
0x86: {  	_ =	shalt  }
0x87: {  	_ =	shalt  }
.Lfunc_end0:
.L_simem_size_0:
called_computation.1_lowered:
.L_overlay_start_0:
0x88: {  	s2 =	sld [smem:$0x3FD9]  }
0x89: {  	s3 =	sld [smem:$0x3FFE];
	_ =	sdelay $0x1  }
0x8a: {  	s1 =	srdreg.scid  }
0x8b: {  	s0 =	sand.u32 $0x1, s1  }
0x8c: {  	s17 =	sshll.u32 s0, $0xA;
	s2 =	sadd.s32 s3, s2  }
0x8d: {  	s2 =	sadd.s32 s2, s17  }
0x8e: {  	[smem:$0x3FC0] =	sst s2  }
0x8f: {  	_ = 	snop  }
0x90: {  	s2 =	sld [smem:$0x3FD0];
	(tm) =	ssettm $0x1  }
0x91: {  	s18 =	sld [smem:$0x3FFB];
	_ =	sdelay $0x3  }
0x92: {  	_ =	strace s18  }
0x93: {  	s3 =	sld [smem:$0x3FFC];
	_ =	sdelay $0x3  }
0x94: {  	_ =	strace s3  }
0x95: {  	s3 =	sld [smem:$0x3FFD];
	_ =	sdelay $0x3  }
0x96: {  	_ =	strace s3  }
0x97: {  	_ =	strace $0x8FFFFFFF  }
0x98: {  	s19 =	sld [smem:$0x3FDB];
	_ =	sdelay $0x1  }
0x99: {  	s4 =	simm.s32 $_scs_section_size  }
0x9a: {  	s5 =	simm.s32 $_size__tile_overlayer_lowered;
	s6 =	simm.s32 $_tile_overlayer_lowered  }
0x9b: {  	s22 =	simm.s32 $0x1BFF;
	s21 =	sshll.u32 s6, $0x1;
	s3 =	sadd.s32 s4, s19  }
0x9c: {  	s7 =	simm.s32 $0x0;
	s20 =	sshll.u32 s5, $0x1;
	s5 =	sadd.s32 s21, s3  }
0x9d: {  	[timem:s7], [sflag:s22] =	dma.local [hbm:s5], s20  }
0x9e: {  	_ =	swait.ge [sflag:s22], s20  }
0x9f: {  	s4 =	ssub.s32 $0x0, s20;
	[sflag:s22] =	ssyncset.done $0x0  }
0xa0: {  	[sflag:s22] =	ssyncadd.s32 s4;
	_ =	sdelay $0x1  }
0xa1: {  	s23 =	simm.s32 $0x1B8B  }
0xa2: {  	_ =	swait.ge [sflag:s23], $0x1  }
0xa3: {  	[sflag:s23] =	ssyncset.done $0x0  }
0xa4: {  	s25 =	simm.s32 $0x1B8E;
	s24 =	sld [smem:$0x3FFE];
	[sflag:s23] =	ssyncadd.s32 $0xFFFFFFFF  }
0xa5: {  	s26 =	simm.s32 $execute0_lowered;
	[smem:$0x3FD2] =	sst s25  }
0xa6: {  	s5 =	sshll.u32 s26, $0x1;
	_ =	strace $0x80000049;
	[dreg:$0x1] =	wrdreg $0xFFFFFFFF  }
0xa7: {  	s28 =	simm.s32 $_size_execute0_lowered;
	s3 =	sadd.s32 s3, s5;
	[dreg:$0x0] =	wrdreg $0x0  }
0xa8: {  	s5 =	sshll.u32 s28, $0x1;
	[dreg:$0x2] =	wrdreg s3  }
0xa9: {  	[dreg:$0x3] =	wrdreg s5  }
0xaa: {  	[dreg:$0x4] =	wrdreg $0xC0  }
0xab: {  	_ =	task [dreg:s7], $0x5FFFF  }
0xac: {  	[dreg:$0x1] =	wrdreg $0xFFFFFFFF  }
0xad: {  	[dreg:$0x0] =	wrdreg $0x60  }
0xae: {  	[dreg:$0x2] =	wrdreg s24  }
0xaf: {  	[dreg:$0x3] =	wrdreg s2  }
0xb0: {  	[dreg:$0x4] =	wrdreg $0x90000  }
0xb1: {  	[dreg:$0x5] =	wrdreg $0x9  }
0xb2: {  	_ =	task.clear_ibuf [dreg:s7], $0x6FFFF;
	_ =	strace $0x90000049  }
0xb3: {  	s29 =	simm.s32 $0x9;
	_ =	strace $0x8000004B  }
0xb4: {  	_ =	swait.ge [sflag:s29], $0x1  }
0xb5: {  	[sflag:s29] =	ssyncadd.s32 $0xFFFFFFFF  }
0xb6: {  	_ =	strace $0x9000004B  }
0xb7: {  	_ =	sfence  }
0xb8: {  	s30 =	sld [smem:$0x0];
	_ =	sdelay $0x2  }
0xb9: {  	s31 =	sshll.u32 s1, $0xD;
	s1 =	sshrl.u32 s1, $0x2  }
0xba: {  	s3 =	sand.u32 $0x4000, s31;
	s1 =	sadd.s32 s1, s30  }
0xbb: {  	s0 =	sor.u32 s3, s0;
	s1 =	sshll.u32 s1, $0x11  }
0xbc: {  	s0 =	sor.u32 s1, s0  }
0xbd: {  	s0 =	sadd.s32 $0x8F2B, s0  }
0xbe: {  	[sflag:s0] =	ssyncadd.remote.s32 $0x1  }
0xbf: {  	_ =	sfence.sel $0xFFFF  }
0xc0: {  	[dreg:$0x0] =	wrdreg $0xFFFFFFFF;
	(pc) =	sbr.abs _section_cstart, $3  }
0xc1: {  	[dreg:$0x1] =	wrdreg $0xFFFFFFFF  }
0xc2: {  	_ =	task.clear_ibuf [dreg:s7], $0x2FFFF;
	_ =	strace $0x9FFFFFFF  }
0xc3: {  	(tm) =	ssettm $0x7FFFFFFF  }
tec
execute0_lowered:
.L_overlay_start_1:
0x0: {  	(tag) =	ssettag $0x1  }
0x1: {  	s5 =	rddreg [dreg:$0x0]  }
0x2: {  	s6 =	rddreg [dreg:$0x1]  }
0x3: {  	s1 =	rddreg [dreg:$0x2]  }
0x4: {  	s2 =	srdreg.scid;
	s0 =	rddreg [dreg:$0x3];
	s3 =	simm.s32 $0x0  }
0x5: {  	s14 =	simm.s32 $0x1;
	s15 =	simm.s32 $0x2800;
	s16 =	simm.s32 $0x5000  }
0x6: {  	s17 =	simm.s32 $0x80;
	s7 =	sand.u32 $0x1, s2;
	s2 =	stileid.u32  }
0x7: {  	s20 =	simm.s32 $0x0;
	[smem:$0x7FF] =	sst s3;
	s8 =	smul.u32 $0x140000, s7  }
0x8: {  	s4 =	sadd.s32 $0xD600, s5;
	s9 =	sshll.u32 s7, $0x4;
	s10 =	smul.u32 $0x14000, s2  }
0x9: {  	_ =	strace $0x8000004A;
	s7 =	ssub.s32 $0x2, s7;
	s11 =	smul.u32 $0x50000, s2  }
0xa: {  	s18 =	sshll.u32 s2, $0x6;
	s9 =	sor.u32 s2, s9;
	s30 =	sshrl.u32 s7, $0x1  }
0xb: {  	s18 =	sor.u32 $0x1C01, s18;
	s9 =	smul.u32 $0x500, s9;
	s8 =	sadd.s32 s10, s8  }
0xc: {  	s10 =	ssub.s32 s7, s30;
	s31 =	sshrl.u32 s11, $0x2;
	s8 =	sshrl.u32 s8, $0x3  }
0xd: {  	s7 =	sadd.s32 s31, s1;
	s12 =	sadd.s32 s9, s5;
	s8 =	sadd.s32 s8, s5  }
0xe: {  	s6 =	sadd.s32 s6, s9;
	s9 =	smax.u32 s10, $0x1;
	s10 =	sadd.s32 $0x4000, s7  }
0xf: {  	s11 =	sadd.s32 $0x8000, s7;
	s13 =	sadd.s32 $0x10000, s7;
	s19 =	sshrl.u32 s7, $0x3  }
0x10: {  	v0 =	vimm.f32 $0.0e+00;
	s5 =	sadd.s32 $0x3600, s12;
	s8 =	sadd.s32 $0x35600, s8;
	s12 =	sadd.s32 $0xC000, s7  }
.LBB2_1:
0x11: {  	[tilespmem:s3], [sflag:$0x1] =	stream.linear.gather [hbm4b:s5+s3], $0x2780, $0x38;
	[tilespmem:$0x1D000] =	vst v63  }
0x12: {  	_ =	swait.ge [sflag:s14], $0x2780  }
0x13: {  	[sflag:s14] =	ssyncset.done $0x0  }
0x14: {  	[sflag:s14] =	ssyncadd.s32 $0xFFFFD880  }
0x15: {  	[tilespmem:s15], [sflag:$0x1] =	stream.linear.gather [hbm4b:s6+s3], $0x2780, $0x38;
	[tilespmem:$0x1D000] =	vst v63  }
0x16: {  	_ =	swait.ge [sflag:s14], $0x2780  }
0x17: {  	[sflag:s14] =	ssyncset.done $0x0  }
0x18: {  	s21 =	simm.s32 $0x0;
	s22 =	simm.s32 $0x200;
	[sflag:s14] =	ssyncadd.s32 $0xFFFFD880  }
.LBB2_2:
0x19: {  	p0 =	sne.s32 s22, $0xFE00;
	[tilespmem:s21+$0x5070] =	vst v0  }
0x1a: {  	[tilespmem:s21+$0x5000] =	vst v0  }
0x1b: {  	[tilespmem:s21+$0x5010] =	vst v0  }
.Ltmp0:
0x1c: {  	[tilespmem:s21+$0x5020] =	vst v0;
	(pc) =	sbr.rel @p0 .LBB2_2-.Ltmp0, $4  }
0x1d: {  	[tilespmem:s21+$0x5030] =	vst v0  }
0x1e: {  	[tilespmem:s21+$0x5040] =	vst v0  }
0x1f: {  	[tilespmem:s21+$0x5050] =	vst v0  }
0x20: {  	[tilespmem:s21+$0x5060] =	vst v0;
	s21 =	sshra.s32 s22, $0x2;
	s22 =	sadd.s32 $0x200, s22  }
0x21: {  	[tilespmem:s21+$0x5070] =	vst v0  }
0x22: {  	[tilespmem:s21+$0x5000] =	vst v0  }
0x23: {  	[tilespmem:s21+$0x5010] =	vst v0  }
0x24: {  	[tilespmem:s21+$0x5020] =	vst v0  }
0x25: {  	[tilespmem:s21+$0x5030] =	vst v0  }
0x26: {  	[tilespmem:s21+$0x5040] =	vst v0  }
0x27: {  	[tilespmem:s21+$0x5050] =	vst v0  }
0x28: {  	[tilespmem:s21+$0x5060] =	vst v0  }
0x29: {  	[spmem:s7] =	stream.linear.scatter [tilespmem:s16], [sflag:$0x1], $0x4000, $0x38;
	[tilespmem:$0x1D000] =	vst v63  }
0x2a: {  	_ =	swait.ge [sflag:s14], $0x4000  }
0x2b: {  	[sflag:s14] =	ssyncset.done $0x0  }
0x2c: {  	[sflag:s14] =	ssyncadd.s32 $0xFFFFC000  }
0x2d: {  	[spmem:s10] =	stream.linear.scatter [tilespmem:s16], [sflag:$0x1], $0x4000, $0x38;
	[tilespmem:$0x1D000] =	vst v63  }
0x2e: {  	_ =	swait.ge [sflag:s14], $0x4000  }
0x2f: {  	[sflag:s14] =	ssyncset.done $0x0  }
0x30: {  	[sflag:s14] =	ssyncadd.s32 $0xFFFFC000  }
0x31: {  	[spmem:s11] =	stream.linear.scatter [tilespmem:s16], [sflag:$0x1], $0x4000, $0x38;
	[tilespmem:$0x1D000] =	vst v63  }
0x32: {  	_ =	swait.ge [sflag:s14], $0x4000  }
0x33: {  	[sflag:s14] =	ssyncset.done $0x0  }
0x34: {  	[sflag:s14] =	ssyncadd.s32 $0xFFFFC000  }
0x35: {  	[spmem:s12] =	stream.linear.scatter [tilespmem:s16], [sflag:$0x1], $0x4000, $0x38;
	[tilespmem:$0x1D000] =	vst v63  }
0x36: {  	_ =	swait.ge [sflag:s14], $0x4000  }
0x37: {  	[sflag:s14] =	ssyncset.done $0x0  }
0x38: {  	[sflag:s14] =	ssyncadd.s32 $0xFFFFC000  }
0x39: {  	[spmem:s13] =	stream.linear.scatter [tilespmem:s16], [sflag:$0x1], $0x4000, $0x38;
	[tilespmem:$0x1D000] =	vst v63  }
0x3a: {  	_ =	swait.ge [sflag:s14], $0x4000  }
0x3b: {  	[sflag:s14] =	ssyncset.done $0x0  }
0x3c: {  	[sflag:s14] =	ssyncadd.s32 $0xFFFFC000  }
0x3d: {  	s30 =	simm.s32 $0x0;
	[bflag:$0x0] =	sbarrier.arrive $0xFFFF  }
0x3e: {  	[tilespmem:s16], [sflag:$0x1] =	stream.indirect.gather [hbm4b:s4+s17], $0x80, s30, s17, $0xb8;
	[tilespmem:$0x1D000] =	vst v63  }
0x3f: {  	_ =	swait.ge [sflag:s14], $0x4000  }
0x40: {  	[sflag:s14] =	ssyncset.done $0x0  }
0x41: {  	s31 =	simm.s32 $0x2800;
	[sflag:s14] =	ssyncadd.s32 $0xFFFFC000  }
0x42: {  	[spmem:s1] =	stream.indirect.scatter.add.f32 [tilespmem:s16], [sflag:$0x1], $0x80, s31, s17, $0xb8;
	[tilespmem:$0x1D000] =	vst v63  }
0x43: {  	_ =	swait.ge [sflag:s14], $0x4000  }
0x44: {  	s21 =	simm.s32 $0x200;
	s22 =	simm.s32 $0x400;
	[sflag:s14] =	ssyncset.done $0x0  }
.LBB2_4:
0x45: {  	s23 =	sshra.s32 s21, $0x2  }
0x46: {  	[sflag:s14] =	ssyncadd.s32 $0xFFFFC000;
	s21 =	smov.u32 s22;
	s24 =	sadd.s32 $0x200, s22  }
0x47: {  	[tilespmem:s16], [sflag:$0x1] =	stream.indirect.gather [hbm4b:s4+s17], $0x80, s23, s17, $0xb8;
	[tilespmem:$0x1D000] =	vst v63  }
0x48: {  	p0 =	sne.s32 s22, $0x9C00;
	_ =	swait.ge [sflag:s14], $0x4000  }
.Ltmp1:
0x49: {  	[sflag:s14] =	ssyncset.done $0x0;
	(pc) =	sbr.rel @p0 .LBB2_4-.Ltmp1, $4  }
0x4a: {  	s22 =	sadd.s32 $0x2800, s23;
	[sflag:s14] =	ssyncadd.s32 $0xFFFFC000  }
0x4b: {  	[spmem:s1] =	stream.indirect.scatter.add.f32 [tilespmem:s16], [sflag:$0x1], $0x80, s22, s17, $0xb8;
	[tilespmem:$0x1D000] =	vst v63  }
0x4c: {  	_ =	swait.ge [sflag:s14], $0x4000  }
0x4d: {  	s22 =	smov.u32 s24;
	[sflag:s14] =	ssyncset.done $0x0  }
0x4e: {  	s21 =	sshra.s32 s21, $0x2;
	[sflag:s14] =	ssyncadd.s32 $0xFFFFC000  }
0x4f: {  	[tilespmem:s16], [sflag:$0x1] =	stream.indirect.gather [hbm4b:s4+s17], $0x80, s21, s17, $0xb8;
	[tilespmem:$0x1D000] =	vst v63  }
0x50: {  	_ =	swait.ge [sflag:s14], $0x4000  }
0x51: {  	[sflag:s14] =	ssyncset.done $0x0  }
0x52: {  	s21 =	sadd.s32 $0x2800, s21;
	[sflag:s14] =	ssyncadd.s32 $0xFFFFC000  }
0x53: {  	[spmem:s1] =	stream.indirect.scatter.add.f32 [tilespmem:s16], [sflag:$0x1], $0x80, s21, s17, $0xb8;
	[tilespmem:$0x1D000] =	vst v63  }
0x54: {  	_ =	swait.ge [sflag:s14], $0x4000  }
0x55: {  	s20 =	sadd.s32 $0x1, s20;
	[sflag:s14] =	ssyncset.done $0x0  }
0x56: {  	p0 =	sne.s32 s20, s9;
	[sflag:s14] =	ssyncadd.s32 $0xFFFFC000  }
.Ltmp2:
0x57: {  	[bflag:$0x0] =	sbarrier.arrive $0xFFFF;
	(pc) =	sbr.rel @p0 .LBB2_1-.Ltmp2, $4  }
0x58: {  	[hbm:s8], [sflag:s18] =	dma.local [spmem:s19], $0x2800  }
0x59: {  	_ =	swait.ge [sflag:s14], $0x2800  }
0x5a: {  	[sflag:s14] =	ssyncset.done $0x0  }
0x5b: {  	[sflag:s14] =	ssyncadd.s32 $0xFFFFD800  }
0x5c: {  	_ =	sfence.sel $0x180000  }
0x5d: {  	[bflag:$0x0] =	sbarrier.arrive $0xFFFF  }
0x5e: {  	p0 =	sne.s32 s2, $0x0;
	_ =	strace $0x9000004A  }
0x5f: {  	s0 =	sadd.s32 @!p0 $0x100000, s0;
	[bflag:$0x2] =	sbarrier.arrive $0xFFFF  }
0x60: {  	[sflag:s0] =	ssyncadd.tile.s32 @!p0 $0x1;
	_ =	shalt  }
.Lfunc_end2:
_tile_overlayer_lowered:
.L_overlay_start_2:
0x61: {  	(tag) =	ssettag $0x2  }
0x62: {  	s0 =	rddreg [dreg:$0x0];
	s2 =	stileid.u32  }
0x63: {  	s1 =	rddreg [dreg:$0x1];
	p0 =	sne.s32 s2, $0x0  }
0x64: {  	s3 =	rddreg [dreg:$0x2];
	[bflag:$0x3] =	sbarrier.arrive $0xFFFF;
	s2 =	simm.s32 @!p0 $0x1C01  }
0x65: {  	[timem:s3], [sflag:s2] =	dma.local @!p0 [hbm:s0], s1  }
0x66: {  	s0 =	simm.s32 @!p0 $0x1  }
0x67: {  	_ =	swait.ge @!p0 [sflag:s0], s1  }
0x68: {  	s1 =	ssub.s32 @!p0 $0x0, s1;
	[sflag:s0] =	ssyncset.done @!p0 $0x0  }
0x69: {  	[sflag:s0] =	ssyncadd.s32 @!p0 s1  }
0x6a: {  	[bflag:$0x3] =	sbarrier.arrive $0xFFFF  }
0x6b: {  	_ =	shalt  }

// kernel: kernel.14.cloned.1.call-start
scs
__scs_entry_jumppad:
0x0: {  	(pc) =	sbr.rel $0x88, $3  }
0x1: {  	(tag) =	ssettag $0x0;
	lr =	simm.s32 $0x1  }
0x2: {  	[smem:$0x3F99] =	sst lr;
	_ =	strace $0xD0000000  }
0x3: {  	_ = 	snop  }
0x4: {  	_ = 	snop  }
0x5: {  	_ = 	snop  }
0x6: {  	_ = 	snop  }
0x7: {  	_ = 	snop  }
__scs_overlays_trampoline_lowered:
0x8: {  	[smem:$0x3FA8] =	sst s0  }
0x9: {  	[smem:$0x3FA9] =	sst s1  }
0xa: {  	[smem:$0x3FAA] =	sst s2  }
0xb: {  	[smem:$0x3FAB] =	sst s3  }
0xc: {  	[smem:$0x3FAC] =	sst s4  }
0xd: {  	[smem:$0x3FAD] =	sst s5  }
0xe: {  	[smem:$0x3FAE] =	sst s6  }
0xf: {  	[smem:$0x3FAF] =	sst s7  }
0x10: {  	[smem:$0x3FB0] =	sst s8  }
0x11: {  	[smem:$0x3FB1] =	sst s9;
	s0 =	simm.s32 @!p0 $0x0  }
0x12: {  	s1 =	sld [smem:$0x3F97];
	s0 =	simm.s32 @p0 $0x1  }
0x13: {  	[smem:$0x3FB2] =	sst s0;
	s0 =	simm.s32 @!p1 $0x0  }
0x14: {  	s2 =	sld [smem:$0x3F96];
	s0 =	simm.s32 @p1 $0x1  }
0x15: {  	[smem:$0x3FB3] =	sst s0;
	s0 =	simm.s32 @!p2 $0x0  }
0x16: {  	s3 =	sld [smem:$0x3FDB];
	s0 =	simm.s32 @p2 $0x1  }
0x17: {  	s4 =	simm.s32 $0x1BF5;
	[smem:$0x3FB5] =	sst s0  }
0x18: {  	s0 =	sld [smem:$0x3F98];
	_ =	swait.ge [sflag:s4], $0x0  }
0x19: {  	s7 =	sld [smem:$0x3F99]  }
0x1a: {  	s8 =	sadd.s32 $0xFFFFE003, lr  }
0x1b: {  	s9 =	sadd.s32 $0xFFFFFEF7, lr;
	s5 =	simm.s32 $0xFFFFFFFF;
	p2 =	slt.u32 s8, $0xFFFFF086  }
0x1c: {  	p1 =	slt.u32 s9, $0xF7A;
	s5 =	simm.s32 @!p2 $0x0  }
0x1d: {  	s5 =	simm.s32 @p1 $0x1;
	p0 =	seq.s32 s7, s2  }
0x1e: {  	s7 =	smul.u32 @!p0 $0xF7A, s2;
	p2 =	seq.s32 @!p0 s5, $0x0  }
0x1f: {  	s9 =	smul.u32 $0xF7A, s1;
	s8 =	simm.s32 @!p0 $0x1BF5;
	p2 =	por !p2, p0  }
0x20: {  	[sflag:s8] =	ssyncset.s32 @!p0 $0xFFFFF086;
	s6 =	sadd.s32 @!p0 s3, s7;
	s7 =	simm.s32 @!p0 $0x108  }
0x21: {  	s3 =	sadd.s32 s3, s9;
	s6 =	sadd.s32 @!p0 $0x88, s6;
	s7 =	simm.s32 @p2 $0x1082  }
0x22: {  	[simem:s7], [sflag:s8] =	dma.local @!p0 [hbm:s6], $0xF7A  }
0x23: {  	s9 =	sor.u32 $0xD0000000, s2;
	s6 =	simm.s32 $0x108;
	_ =	swait.ge @!p0 [sflag:s8], $0x0  }
0x24: {  	s3 =	sadd.s32 $0x88, s3;
	s6 =	simm.s32 @!p1 $0x1082;
	[sflag:s4] =	ssyncset.s32 $0xFFFFF086  }
0x25: {  	[simem:s6], [sflag:s4] =	dma.local [hbm:s3], $0xF7A  }
0x26: {  	[smem:$0x3F99] =	sst s1;
	(tag) =	ssettag s2;
	_ =	strace s9  }
0x27: {  	s1 =	sld [smem:$0x3FA9]  }
0x28: {  	s2 =	sld [smem:$0x3FAA]  }
0x29: {  	s4 =	sld [smem:$0x3FAC]  }
0x2a: {  	p0 =	seq.s32 s5, $0x0;
	s5 =	sld [smem:$0x3FAD]  }
0x2b: {  	s6 =	sld [smem:$0x3FAE]  }
0x2c: {  	s7 =	sld [smem:$0x3FAF]  }
0x2d: {  	s3 =	simm.s32 $0x108;
	s8 =	sld [smem:$0x3FB0]  }
0x2e: {  	s3 =	simm.s32 @!p0 $0x1082;
	s9 =	sld [smem:$0x3FB1]  }
0x2f: {  	lr =	sadd.s32 s0, s3;
	s0 =	sld [smem:$0x3FA8]  }
0x30: {  	s3 =	sld [smem:$0x3FAB]  }
0x31: {  	[smem:$0x3FB4] =	sst s10  }
0x32: {  	s10 =	sld [smem:$0x3FB2];
	_ =	sdelay $0x3  }
0x33: {  	p0 =	seq.s32 s10, $0x1;
	s10 =	sld [smem:$0x3FB4];
	_ =	sdelay $0x3  }
0x34: {  	[smem:$0x3FB4] =	sst s10  }
0x35: {  	s10 =	sld [smem:$0x3FB3];
	_ =	sdelay $0x3  }
0x36: {  	p1 =	seq.s32 s10, $0x1;
	s10 =	sld [smem:$0x3FB4];
	_ =	sdelay $0x3  }
0x37: {  	[smem:$0x3FB4] =	sst s10  }
0x38: {  	s10 =	sld [smem:$0x3FB5]  }
0x39: {  	_ = 	snop;
	(pc) =	sbr.ind lr, $3  }
0x3a: {  	_ = 	snop  }
0x3b: {  	_ = 	snop  }
0x3c: {  	p2 =	seq.s32 s10, $0x1;
	s10 =	sld [smem:$0x3FB4]  }
0x3d: {  	_ =	shalt  }
0x3e: {  	_ =	shalt  }
0x3f: {  	_ =	shalt  }
0x40: {  	_ =	shalt  }
0x41: {  	_ =	shalt  }
0x42: {  	_ =	shalt  }
0x43: {  	_ =	shalt  }
0x44: {  	_ =	shalt  }
0x45: {  	_ =	shalt  }
0x46: {  	_ =	shalt  }
0x47: {  	_ =	shalt  }
0x48: {  	_ =	shalt  }
0x49: {  	_ =	shalt  }
0x4a: {  	_ =	shalt  }
0x4b: {  	_ =	shalt  }
0x4c: {  	_ =	shalt  }
0x4d: {  	_ =	shalt  }
0x4e: {  	_ =	shalt  }
0x4f: {  	_ =	shalt  }
0x50: {  	_ =	shalt  }
0x51: {  	_ =	shalt  }
0x52: {  	_ =	shalt  }
0x53: {  	_ =	shalt  }
0x54: {  	_ =	shalt  }
0x55: {  	_ =	shalt  }
0x56: {  	_ =	shalt  }
0x57: {  	_ =	shalt  }
0x58: {  	_ =	shalt  }
0x59: {  	_ =	shalt  }
0x5a: {  	_ =	shalt  }
0x5b: {  	_ =	shalt  }
0x5c: {  	_ =	shalt  }
0x5d: {  	_ =	shalt  }
0x5e: {  	_ =	shalt  }
0x5f: {  	_ =	shalt  }
0x60: {  	_ =	shalt  }
0x61: {  	_ =	shalt  }
0x62: {  	_ =	shalt  }
0x63: {  	_ =	shalt  }
0x64: {  	_ =	shalt  }
0x65: {  	_ =	shalt  }
0x66: {  	_ =	shalt  }
0x67: {  	_ =	shalt  }
0x68: {  	_ =	shalt  }
0x69: {  	_ =	shalt  }
0x6a: {  	_ =	shalt  }
0x6b: {  	_ =	shalt  }
0x6c: {  	_ =	shalt  }
0x6d: {  	_ =	shalt  }
0x6e: {  	_ =	shalt  }
0x6f: {  	_ =	shalt  }
0x70: {  	_ =	shalt  }
0x71: {  	_ =	shalt  }
0x72: {  	_ =	shalt  }
0x73: {  	_ =	shalt  }
0x74: {  	_ =	shalt  }
0x75: {  	_ =	shalt  }
0x76: {  	_ =	shalt  }
0x77: {  	_ =	shalt  }
0x78: {  	_ =	shalt  }
0x79: {  	_ =	shalt  }
0x7a: {  	_ =	shalt  }
0x7b: {  	_ =	shalt  }
0x7c: {  	_ =	shalt  }
0x7d: {  	_ =	shalt  }
0x7e: {  	_ =	shalt  }
0x7f: {  	_ =	shalt  }
0x80: {  	_ =	shalt  }
0x81: {  	_ =	shalt  }
0x82: {  	_ =	shalt  }
0x83: {  	_ =	shalt  }
0x84: {  	_ =	shalt  }
0x85: {  	_ =	shalt  }
0x86: {  	_ =	shalt  }
0x87: {  	_ =	shalt  }
.Lfunc_end0:
.L_simem_size_0:
called_computation.2_lowered:
.L_overlay_start_0:
0x88: {  	s2 =	sld [smem:$0x3FD9]  }
0x89: {  	s3 =	sld [smem:$0x3FFE];
	_ =	sdelay $0x1  }
0x8a: {  	s1 =	srdreg.scid  }
0x8b: {  	s0 =	sand.u32 $0x1, s1  }
0x8c: {  	s17 =	sshll.u32 s0, $0xA;
	s2 =	sadd.s32 s3, s2  }
0x8d: {  	s2 =	sadd.s32 s2, s17  }
0x8e: {  	[smem:$0x3FC0] =	sst s2  }
0x8f: {  	_ = 	snop  }
0x90: {  	s2 =	sld [smem:$0x3FD0];
	(tm) =	ssettm $0x1  }
0x91: {  	s18 =	sld [smem:$0x3FFB];
	_ =	sdelay $0x3  }
0x92: {  	_ =	strace s18  }
0x93: {  	s3 =	sld [smem:$0x3FFC];
	_ =	sdelay $0x3  }
0x94: {  	_ =	strace s3  }
0x95: {  	s3 =	sld [smem:$0x3FFD];
	_ =	sdelay $0x3  }
0x96: {  	_ =	strace s3  }
0x97: {  	_ =	strace $0x8FFFFFFF  }
0x98: {  	s19 =	sld [smem:$0x3FDB];
	_ =	sdelay $0x1  }
0x99: {  	s4 =	simm.s32 $_scs_section_size  }
0x9a: {  	s5 =	simm.s32 $_size__tile_overlayer_lowered;
	s6 =	simm.s32 $_tile_overlayer_lowered  }
0x9b: {  	s22 =	simm.s32 $0x1BFF;
	s21 =	sshll.u32 s6, $0x1;
	s3 =	sadd.s32 s4, s19  }
0x9c: {  	s7 =	simm.s32 $0x0;
	s20 =	sshll.u32 s5, $0x1;
	s5 =	sadd.s32 s21, s3  }
0x9d: {  	[timem:s7], [sflag:s22] =	dma.local [hbm:s5], s20  }
0x9e: {  	_ =	swait.ge [sflag:s22], s20  }
0x9f: {  	s4 =	ssub.s32 $0x0, s20;
	[sflag:s22] =	ssyncset.done $0x0  }
0xa0: {  	[sflag:s22] =	ssyncadd.s32 s4;
	_ =	sdelay $0x1  }
0xa1: {  	s23 =	simm.s32 $0x1B8B  }
0xa2: {  	_ =	swait.ge [sflag:s23], $0x1  }
0xa3: {  	[sflag:s23] =	ssyncset.done $0x0  }
0xa4: {  	s25 =	simm.s32 $0x1B8E;
	s24 =	sld [smem:$0x3FFE];
	[sflag:s23] =	ssyncadd.s32 $0xFFFFFFFF  }
0xa5: {  	s26 =	simm.s32 $execute0_lowered;
	[smem:$0x3FD2] =	sst s25  }
0xa6: {  	s5 =	sshll.u32 s26, $0x1;
	_ =	strace $0x8000004C;
	[dreg:$0x1] =	wrdreg $0xFFFFFFFF  }
0xa7: {  	s28 =	simm.s32 $_size_execute0_lowered;
	s3 =	sadd.s32 s3, s5;
	[dreg:$0x0] =	wrdreg $0x0  }
0xa8: {  	s5 =	sshll.u32 s28, $0x1;
	[dreg:$0x2] =	wrdreg s3  }
0xa9: {  	[dreg:$0x3] =	wrdreg s5  }
0xaa: {  	[dreg:$0x4] =	wrdreg $0xC0  }
0xab: {  	_ =	task [dreg:s7], $0x5FFFF  }
0xac: {  	[dreg:$0x1] =	wrdreg $0xFFFFFFFF  }
0xad: {  	[dreg:$0x0] =	wrdreg $0x60  }
0xae: {  	[dreg:$0x2] =	wrdreg s24  }
0xaf: {  	[dreg:$0x3] =	wrdreg s2  }
0xb0: {  	[dreg:$0x4] =	wrdreg $0x90000  }
0xb1: {  	[dreg:$0x5] =	wrdreg $0x9  }
0xb2: {  	_ =	task.clear_ibuf [dreg:s7], $0x6FFFF;
	_ =	strace $0x9000004C  }
0xb3: {  	s29 =	simm.s32 $0x9;
	_ =	strace $0x8000004E  }
0xb4: {  	_ =	swait.ge [sflag:s29], $0x1  }
0xb5: {  	[sflag:s29] =	ssyncadd.s32 $0xFFFFFFFF  }
0xb6: {  	_ =	strace $0x9000004E  }
0xb7: {  	_ =	sfence  }
0xb8: {  	s30 =	sld [smem:$0x0];
	_ =	sdelay $0x2  }
0xb9: {  	s31 =	sshll.u32 s1, $0xD;
	s1 =	sshrl.u32 s1, $0x2  }
0xba: {  	s3 =	sand.u32 $0x4000, s31;
	s1 =	sadd.s32 s1, s30  }
0xbb: {  	s0 =	sor.u32 s3, s0;
	s1 =	sshll.u32 s1, $0x11  }
0xbc: {  	s0 =	sor.u32 s1, s0  }
0xbd: {  	s0 =	sadd.s32 $0x8F2B, s0  }
0xbe: {  	[sflag:s0] =	ssyncadd.remote.s32 $0x1  }
0xbf: {  	_ =	sfence.sel $0xFFFF  }
0xc0: {  	[dreg:$0x0] =	wrdreg $0xFFFFFFFF;
	(pc) =	sbr.abs _section_cstart, $3  }
0xc1: {  	[dreg:$0x1] =	wrdreg $0xFFFFFFFF  }
0xc2: {  	_ =	task.clear_ibuf [dreg:s7], $0x2FFFF;
	_ =	strace $0x9FFFFFFF  }
0xc3: {  	(tm) =	ssettm $0x7FFFFFFF  }
tec
execute0_lowered:
.L_overlay_start_1:
0x0: {  	(tag) =	ssettag $0x1  }
0x1: {  	s5 =	rddreg [dreg:$0x0]  }
0x2: {  	s6 =	rddreg [dreg:$0x1]  }
0x3: {  	s1 =	rddreg [dreg:$0x2]  }
0x4: {  	s2 =	srdreg.scid;
	s0 =	rddreg [dreg:$0x3];
	s3 =	simm.s32 $0x0  }
0x5: {  	s14 =	simm.s32 $0x1;
	s15 =	simm.s32 $0x2800;
	s16 =	simm.s32 $0x5000  }
0x6: {  	s17 =	simm.s32 $0x80;
	s7 =	sand.u32 $0x1, s2;
	s2 =	stileid.u32  }
0x7: {  	s20 =	simm.s32 $0x0;
	[smem:$0x7FF] =	sst s3;
	s8 =	smul.u32 $0x140000, s7  }
0x8: {  	s4 =	sadd.s32 $0xD600, s5;
	s9 =	sshll.u32 s7, $0x4;
	s10 =	smul.u32 $0x14000, s2  }
0x9: {  	_ =	strace $0x8000004D;
	s7 =	ssub.s32 $0x2, s7;
	s11 =	smul.u32 $0x50000, s2  }
0xa: {  	s18 =	sshll.u32 s2, $0x6;
	s9 =	sor.u32 s2, s9;
	s30 =	sshrl.u32 s7, $0x1  }
0xb: {  	s18 =	sor.u32 $0x1C01, s18;
	s9 =	smul.u32 $0x500, s9;
	s8 =	sadd.s32 s10, s8  }
0xc: {  	s10 =	ssub.s32 s7, s30;
	s31 =	sshrl.u32 s11, $0x2;
	s8 =	sshrl.u32 s8, $0x3  }
0xd: {  	s7 =	sadd.s32 s31, s1;
	s12 =	sadd.s32 s9, s5;
	s8 =	sadd.s32 s8, s5  }
0xe: {  	s6 =	sadd.s32 s6, s9;
	s9 =	smax.u32 s10, $0x1;
	s10 =	sadd.s32 $0x4000, s7  }
0xf: {  	s11 =	sadd.s32 $0x8000, s7;
	s13 =	sadd.s32 $0x10000, s7;
	s19 =	sshrl.u32 s7, $0x3  }
0x10: {  	v0 =	vimm.f32 $0.0e+00;
	s5 =	sadd.s32 $0x3600, s12;
	s8 =	sadd.s32 $0x35600, s8;
	s12 =	sadd.s32 $0xC000, s7  }
.LBB2_1:
0x11: {  	[tilespmem:s3], [sflag:$0x1] =	stream.linear.gather [hbm4b:s5+s3], $0x2780, $0x38;
	[tilespmem:$0x1D000] =	vst v63  }
0x12: {  	_ =	swait.ge [sflag:s14], $0x2780  }
0x13: {  	[sflag:s14] =	ssyncset.done $0x0  }
0x14: {  	[sflag:s14] =	ssyncadd.s32 $0xFFFFD880  }
0x15: {  	[tilespmem:s15], [sflag:$0x1] =	stream.linear.gather [hbm4b:s6+s3], $0x2780, $0x38;
	[tilespmem:$0x1D000] =	vst v63  }
0x16: {  	_ =	swait.ge [sflag:s14], $0x2780  }
0x17: {  	[sflag:s14] =	ssyncset.done $0x0  }
0x18: {  	s21 =	simm.s32 $0x0;
	s22 =	simm.s32 $0x200;
	[sflag:s14] =	ssyncadd.s32 $0xFFFFD880  }
.LBB2_2:
0x19: {  	p0 =	sne.s32 s22, $0xFE00;
	[tilespmem:s21+$0x5070] =	vst v0  }
0x1a: {  	[tilespmem:s21+$0x5000] =	vst v0  }
0x1b: {  	[tilespmem:s21+$0x5010] =	vst v0  }
.Ltmp0:
0x1c: {  	[tilespmem:s21+$0x5020] =	vst v0;
	(pc) =	sbr.rel @p0 .LBB2_2-.Ltmp0, $4  }
0x1d: {  	[tilespmem:s21+$0x5030] =	vst v0  }
0x1e: {  	[tilespmem:s21+$0x5040] =	vst v0  }
0x1f: {  	[tilespmem:s21+$0x5050] =	vst v0  }
0x20: {  	[tilespmem:s21+$0x5060] =	vst v0;
	s21 =	sshra.s32 s22, $0x2;
	s22 =	sadd.s32 $0x200, s22  }
0x21: {  	[tilespmem:s21+$0x5070] =	vst v0  }
0x22: {  	[tilespmem:s21+$0x5000] =	vst v0  }
0x23: {  	[tilespmem:s21+$0x5010] =	vst v0  }
0x24: {  	[tilespmem:s21+$0x5020] =	vst v0  }
0x25: {  	[tilespmem:s21+$0x5030] =	vst v0  }
0x26: {  	[tilespmem:s21+$0x5040] =	vst v0  }
0x27: {  	[tilespmem:s21+$0x5050] =	vst v0  }
0x28: {  	[tilespmem:s21+$0x5060] =	vst v0  }
0x29: {  	[spmem:s7] =	stream.linear.scatter [tilespmem:s16], [sflag:$0x1], $0x4000, $0x38;
	[tilespmem:$0x1D000] =	vst v63  }
0x2a: {  	_ =	swait.ge [sflag:s14], $0x4000  }
0x2b: {  	[sflag:s14] =	ssyncset.done $0x0  }
0x2c: {  	[sflag:s14] =	ssyncadd.s32 $0xFFFFC000  }
0x2d: {  	[spmem:s10] =	stream.linear.scatter [tilespmem:s16], [sflag:$0x1], $0x4000, $0x38;
	[tilespmem:$0x1D000] =	vst v63  }
0x2e: {  	_ =	swait.ge [sflag:s14], $0x4000  }
0x2f: {  	[sflag:s14] =	ssyncset.done $0x0  }
0x30: {  	[sflag:s14] =	ssyncadd.s32 $0xFFFFC000  }
0x31: {  	[spmem:s11] =	stream.linear.scatter [tilespmem:s16], [sflag:$0x1], $0x4000, $0x38;
	[tilespmem:$0x1D000] =	vst v63  }
0x32: {  	_ =	swait.ge [sflag:s14], $0x4000  }
0x33: {  	[sflag:s14] =	ssyncset.done $0x0  }
0x34: {  	[sflag:s14] =	ssyncadd.s32 $0xFFFFC000  }
0x35: {  	[spmem:s12] =	stream.linear.scatter [tilespmem:s16], [sflag:$0x1], $0x4000, $0x38;
	[tilespmem:$0x1D000] =	vst v63  }
0x36: {  	_ =	swait.ge [sflag:s14], $0x4000  }
0x37: {  	[sflag:s14] =	ssyncset.done $0x0  }
0x38: {  	[sflag:s14] =	ssyncadd.s32 $0xFFFFC000  }
0x39: {  	[spmem:s13] =	stream.linear.scatter [tilespmem:s16], [sflag:$0x1], $0x4000, $0x38;
	[tilespmem:$0x1D000] =	vst v63  }
0x3a: {  	_ =	swait.ge [sflag:s14], $0x4000  }
0x3b: {  	[sflag:s14] =	ssyncset.done $0x0  }
0x3c: {  	[sflag:s14] =	ssyncadd.s32 $0xFFFFC000  }
0x3d: {  	s30 =	simm.s32 $0x0;
	[bflag:$0x0] =	sbarrier.arrive $0xFFFF  }
0x3e: {  	[tilespmem:s16], [sflag:$0x1] =	stream.indirect.gather [hbm4b:s4+s17], $0x80, s30, s17, $0xb8;
	[tilespmem:$0x1D000] =	vst v63  }
0x3f: {  	_ =	swait.ge [sflag:s14], $0x4000  }
0x40: {  	[sflag:s14] =	ssyncset.done $0x0  }
0x41: {  	s31 =	simm.s32 $0x2800;
	[sflag:s14] =	ssyncadd.s32 $0xFFFFC000  }
0x42: {  	[spmem:s1] =	stream.indirect.scatter.add.f32 [tilespmem:s16], [sflag:$0x1], $0x80, s31, s17, $0xb8;
	[tilespmem:$0x1D000] =	vst v63  }
0x43: {  	_ =	swait.ge [sflag:s14], $0x4000  }
0x44: {  	s21 =	simm.s32 $0x200;
	s22 =	simm.s32 $0x400;
	[sflag:s14] =	ssyncset.done $0x0  }
.LBB2_4:
0x45: {  	s23 =	sshra.s32 s21, $0x2  }
0x46: {  	[sflag:s14] =	ssyncadd.s32 $0xFFFFC000;
	s21 =	smov.u32 s22;
	s24 =	sadd.s32 $0x200, s22  }
0x47: {  	[tilespmem:s16], [sflag:$0x1] =	stream.indirect.gather [hbm4b:s4+s17], $0x80, s23, s17, $0xb8;
	[tilespmem:$0x1D000] =	vst v63  }
0x48: {  	p0 =	sne.s32 s22, $0x9C00;
	_ =	swait.ge [sflag:s14], $0x4000  }
.Ltmp1:
0x49: {  	[sflag:s14] =	ssyncset.done $0x0;
	(pc) =	sbr.rel @p0 .LBB2_4-.Ltmp1, $4  }
0x4a: {  	s22 =	sadd.s32 $0x2800, s23;
	[sflag:s14] =	ssyncadd.s32 $0xFFFFC000  }
0x4b: {  	[spmem:s1] =	stream.indirect.scatter.add.f32 [tilespmem:s16], [sflag:$0x1], $0x80, s22, s17, $0xb8;
	[tilespmem:$0x1D000] =	vst v63  }
0x4c: {  	_ =	swait.ge [sflag:s14], $0x4000  }
0x4d: {  	s22 =	smov.u32 s24;
	[sflag:s14] =	ssyncset.done $0x0  }
0x4e: {  	s21 =	sshra.s32 s21, $0x2;
	[sflag:s14] =	ssyncadd.s32 $0xFFFFC000  }
0x4f: {  	[tilespmem:s16], [sflag:$0x1] =	stream.indirect.gather [hbm4b:s4+s17], $0x80, s21, s17, $0xb8;
	[tilespmem:$0x1D000] =	vst v63  }
0x50: {  	_ =	swait.ge [sflag:s14], $0x4000  }
0x51: {  	[sflag:s14] =	ssyncset.done $0x0  }
0x52: {  	s21 =	sadd.s32 $0x2800, s21;
	[sflag:s14] =	ssyncadd.s32 $0xFFFFC000  }
0x53: {  	[spmem:s1] =	stream.indirect.scatter.add.f32 [tilespmem:s16], [sflag:$0x1], $0x80, s21, s17, $0xb8;
	[tilespmem:$0x1D000] =	vst v63  }
0x54: {  	_ =	swait.ge [sflag:s14], $0x4000  }
0x55: {  	s20 =	sadd.s32 $0x1, s20;
	[sflag:s14] =	ssyncset.done $0x0  }
0x56: {  	p0 =	sne.s32 s20, s9;
	[sflag:s14] =	ssyncadd.s32 $0xFFFFC000  }
.Ltmp2:
0x57: {  	[bflag:$0x0] =	sbarrier.arrive $0xFFFF;
	(pc) =	sbr.rel @p0 .LBB2_1-.Ltmp2, $4  }
0x58: {  	[hbm:s8], [sflag:s18] =	dma.local [spmem:s19], $0x2800  }
0x59: {  	_ =	swait.ge [sflag:s14], $0x2800  }
0x5a: {  	[sflag:s14] =	ssyncset.done $0x0  }
0x5b: {  	[sflag:s14] =	ssyncadd.s32 $0xFFFFD800  }
0x5c: {  	_ =	sfence.sel $0x180000  }
0x5d: {  	[bflag:$0x0] =	sbarrier.arrive $0xFFFF  }
0x5e: {  	p0 =	sne.s32 s2, $0x0;
	_ =	strace $0x9000004D  }
0x5f: {  	s0 =	sadd.s32 @!p0 $0x100000, s0;
	[bflag:$0x2] =	sbarrier.arrive $0xFFFF  }
0x60: {  	[sflag:s0] =	ssyncadd.tile.s32 @!p0 $0x1;
	_ =	shalt  }
.Lfunc_end2:
_tile_overlayer_lowered:
.L_overlay_start_2:
0x61: {  	(tag) =	ssettag $0x2  }
0x62: {  	s0 =	rddreg [dreg:$0x0];
	s2 =	stileid.u32  }
0x63: {  	s1 =	rddreg [dreg:$0x1];
	p0 =	sne.s32 s2, $0x0  }
0x64: {  	s3 =	rddreg [dreg:$0x2];
	[bflag:$0x3] =	sbarrier.arrive $0xFFFF;
	s2 =	simm.s32 @!p0 $0x1C01  }
0x65: {  	[timem:s3], [sflag:s2] =	dma.local @!p0 [hbm:s0], s1  }
0x66: {  	s0 =	simm.s32 @!p0 $0x1  }
0x67: {  	_ =	swait.ge @!p0 [sflag:s0], s1  }
0x68: {  	s1 =	ssub.s32 @!p0 $0x0, s1;
	[sflag:s0] =	ssyncset.done @!p0 $0x0  }
0x69: {  	[sflag:s0] =	ssyncadd.s32 @!p0 s1  }
0x6a: {  	[bflag:$0x3] =	sbarrier.arrive $0xFFFF  }
0x6b: {  	_ =	shalt  }

// kernel: kernel.8.cloned.1.call-start
scs
__scs_entry_jumppad:
0x0: {  	(pc) =	sbr.rel $0x88, $3  }
0x1: {  	(tag) =	ssettag $0x0;
	lr =	simm.s32 $0x1  }
0x2: {  	[smem:$0x3F99] =	sst lr;
	_ =	strace $0xD0000000  }
0x3: {  	_ = 	snop  }
0x4: {  	_ = 	snop  }
0x5: {  	_ = 	snop  }
0x6: {  	_ = 	snop  }
0x7: {  	_ = 	snop  }
__scs_overlays_trampoline_lowered:
0x8: {  	[smem:$0x3FA8] =	sst s0  }
0x9: {  	[smem:$0x3FA9] =	sst s1  }
0xa: {  	[smem:$0x3FAA] =	sst s2  }
0xb: {  	[smem:$0x3FAB] =	sst s3  }
0xc: {  	[smem:$0x3FAC] =	sst s4  }
0xd: {  	[smem:$0x3FAD] =	sst s5  }
0xe: {  	[smem:$0x3FAE] =	sst s6  }
0xf: {  	[smem:$0x3FAF] =	sst s7  }
0x10: {  	[smem:$0x3FB0] =	sst s8  }
0x11: {  	[smem:$0x3FB1] =	sst s9;
	s0 =	simm.s32 @!p0 $0x0  }
0x12: {  	s1 =	sld [smem:$0x3F97];
	s0 =	simm.s32 @p0 $0x1  }
0x13: {  	[smem:$0x3FB2] =	sst s0;
	s0 =	simm.s32 @!p1 $0x0  }
0x14: {  	s2 =	sld [smem:$0x3F96];
	s0 =	simm.s32 @p1 $0x1  }
0x15: {  	[smem:$0x3FB3] =	sst s0;
	s0 =	simm.s32 @!p2 $0x0  }
0x16: {  	s3 =	sld [smem:$0x3FDB];
	s0 =	simm.s32 @p2 $0x1  }
0x17: {  	s4 =	simm.s32 $0x1BF5;
	[smem:$0x3FB5] =	sst s0  }
0x18: {  	s0 =	sld [smem:$0x3F98];
	_ =	swait.ge [sflag:s4], $0x0  }
0x19: {  	s7 =	sld [smem:$0x3F99]  }
0x1a: {  	s8 =	sadd.s32 $0xFFFFE003, lr  }
0x1b: {  	s9 =	sadd.s32 $0xFFFFFEF7, lr;
	s5 =	simm.s32 $0xFFFFFFFF;
	p2 =	slt.u32 s8, $0xFFFFF086  }
0x1c: {  	p1 =	slt.u32 s9, $0xF7A;
	s5 =	simm.s32 @!p2 $0x0  }
0x1d: {  	s5 =	simm.s32 @p1 $0x1;
	p0 =	seq.s32 s7, s2  }
0x1e: {  	s7 =	smul.u32 @!p0 $0xF7A, s2;
	p2 =	seq.s32 @!p0 s5, $0x0  }
0x1f: {  	s9 =	smul.u32 $0xF7A, s1;
	s8 =	simm.s32 @!p0 $0x1BF5;
	p2 =	por !p2, p0  }
0x20: {  	[sflag:s8] =	ssyncset.s32 @!p0 $0xFFFFF086;
	s6 =	sadd.s32 @!p0 s3, s7;
	s7 =	simm.s32 @!p0 $0x108  }
0x21: {  	s3 =	sadd.s32 s3, s9;
	s6 =	sadd.s32 @!p0 $0x88, s6;
	s7 =	simm.s32 @p2 $0x1082  }
0x22: {  	[simem:s7], [sflag:s8] =	dma.local @!p0 [hbm:s6], $0xF7A  }
0x23: {  	s9 =	sor.u32 $0xD0000000, s2;
	s6 =	simm.s32 $0x108;
	_ =	swait.ge @!p0 [sflag:s8], $0x0  }
0x24: {  	s3 =	sadd.s32 $0x88, s3;
	s6 =	simm.s32 @!p1 $0x1082;
	[sflag:s4] =	ssyncset.s32 $0xFFFFF086  }
0x25: {  	[simem:s6], [sflag:s4] =	dma.local [hbm:s3], $0xF7A  }
0x26: {  	[smem:$0x3F99] =	sst s1;
	(tag) =	ssettag s2;
	_ =	strace s9  }
0x27: {  	s1 =	sld [smem:$0x3FA9]  }
0x28: {  	s2 =	sld [smem:$0x3FAA]  }
0x29: {  	s4 =	sld [smem:$0x3FAC]  }
0x2a: {  	p0 =	seq.s32 s5, $0x0;
	s5 =	sld [smem:$0x3FAD]  }
0x2b: {  	s6 =	sld [smem:$0x3FAE]  }
0x2c: {  	s7 =	sld [smem:$0x3FAF]  }
0x2d: {  	s3 =	simm.s32 $0x108;
	s8 =	sld [smem:$0x3FB0]  }
0x2e: {  	s3 =	simm.s32 @!p0 $0x1082;
	s9 =	sld [smem:$0x3FB1]  }
0x2f: {  	lr =	sadd.s32 s0, s3;
	s0 =	sld [smem:$0x3FA8]  }
0x30: {  	s3 =	sld [smem:$0x3FAB]  }
0x31: {  	[smem:$0x3FB4] =	sst s10  }
0x32: {  	s10 =	sld [smem:$0x3FB2];
	_ =	sdelay $0x3  }
0x33: {  	p0 =	seq.s32 s10, $0x1;
	s10 =	sld [smem:$0x3FB4];
	_ =	sdelay $0x3  }
0x34: {  	[smem:$0x3FB4] =	sst s10  }
0x35: {  	s10 =	sld [smem:$0x3FB3];
	_ =	sdelay $0x3  }
0x36: {  	p1 =	seq.s32 s10, $0x1;
	s10 =	sld [smem:$0x3FB4];
	_ =	sdelay $0x3  }
0x37: {  	[smem:$0x3FB4] =	sst s10  }
0x38: {  	s10 =	sld [smem:$0x3FB5]  }
0x39: {  	_ = 	snop;
	(pc) =	sbr.ind lr, $3  }
0x3a: {  	_ = 	snop  }
0x3b: {  	_ = 	snop  }
0x3c: {  	p2 =	seq.s32 s10, $0x1;
	s10 =	sld [smem:$0x3FB4]  }
0x3d: {  	_ =	shalt  }
0x3e: {  	_ =	shalt  }
0x3f: {  	_ =	shalt  }
0x40: {  	_ =	shalt  }
0x41: {  	_ =	shalt  }
0x42: {  	_ =	shalt  }
0x43: {  	_ =	shalt  }
0x44: {  	_ =	shalt  }
0x45: {  	_ =	shalt  }
0x46: {  	_ =	shalt  }
0x47: {  	_ =	shalt  }
0x48: {  	_ =	shalt  }
0x49: {  	_ =	shalt  }
0x4a: {  	_ =	shalt  }
0x4b: {  	_ =	shalt  }
0x4c: {  	_ =	shalt  }
0x4d: {  	_ =	shalt  }
0x4e: {  	_ =	shalt  }
0x4f: {  	_ =	shalt  }
0x50: {  	_ =	shalt  }
0x51: {  	_ =	shalt  }
0x52: {  	_ =	shalt  }
0x53: {  	_ =	shalt  }
0x54: {  	_ =	shalt  }
0x55: {  	_ =	shalt  }
0x56: {  	_ =	shalt  }
0x57: {  	_ =	shalt  }
0x58: {  	_ =	shalt  }
0x59: {  	_ =	shalt  }
0x5a: {  	_ =	shalt  }
0x5b: {  	_ =	shalt  }
0x5c: {  	_ =	shalt  }
0x5d: {  	_ =	shalt  }
0x5e: {  	_ =	shalt  }
0x5f: {  	_ =	shalt  }
0x60: {  	_ =	shalt  }
0x61: {  	_ =	shalt  }
0x62: {  	_ =	shalt  }
0x63: {  	_ =	shalt  }
0x64: {  	_ =	shalt  }
0x65: {  	_ =	shalt  }
0x66: {  	_ =	shalt  }
0x67: {  	_ =	shalt  }
0x68: {  	_ =	shalt  }
0x69: {  	_ =	shalt  }
0x6a: {  	_ =	shalt  }
0x6b: {  	_ =	shalt  }
0x6c: {  	_ =	shalt  }
0x6d: {  	_ =	shalt  }
0x6e: {  	_ =	shalt  }
0x6f: {  	_ =	shalt  }
0x70: {  	_ =	shalt  }
0x71: {  	_ =	shalt  }
0x72: {  	_ =	shalt  }
0x73: {  	_ =	shalt  }
0x74: {  	_ =	shalt  }
0x75: {  	_ =	shalt  }
0x76: {  	_ =	shalt  }
0x77: {  	_ =	shalt  }
0x78: {  	_ =	shalt  }
0x79: {  	_ =	shalt  }
0x7a: {  	_ =	shalt  }
0x7b: {  	_ =	shalt  }
0x7c: {  	_ =	shalt  }
0x7d: {  	_ =	shalt  }
0x7e: {  	_ =	shalt  }
0x7f: {  	_ =	shalt  }
0x80: {  	_ =	shalt  }
0x81: {  	_ =	shalt  }
0x82: {  	_ =	shalt  }
0x83: {  	_ =	shalt  }
0x84: {  	_ =	shalt  }
0x85: {  	_ =	shalt  }
0x86: {  	_ =	shalt  }
0x87: {  	_ =	shalt  }
.Lfunc_end0:
.L_simem_size_0:
called_computation_lowered:
.L_overlay_start_0:
0x88: {  	s2 =	sld [smem:$0x3FD9]  }
0x89: {  	s3 =	sld [smem:$0x3FFE];
	_ =	sdelay $0x1  }
0x8a: {  	s1 =	srdreg.scid  }
0x8b: {  	s0 =	sand.u32 $0x1, s1  }
0x8c: {  	s17 =	sshll.u32 s0, $0xA;
	s2 =	sadd.s32 s3, s2  }
0x8d: {  	s2 =	sadd.s32 s2, s17  }
0x8e: {  	[smem:$0x3FC0] =	sst s2  }
0x8f: {  	_ = 	snop  }
0x90: {  	s2 =	sld [smem:$0x3FD0];
	(tm) =	ssettm $0x1  }
0x91: {  	s18 =	sld [smem:$0x3FFB];
	_ =	sdelay $0x3  }
0x92: {  	_ =	strace s18  }
0x93: {  	s3 =	sld [smem:$0x3FFC];
	_ =	sdelay $0x3  }
0x94: {  	_ =	strace s3  }
0x95: {  	s3 =	sld [smem:$0x3FFD];
	_ =	sdelay $0x3  }
0x96: {  	_ =	strace s3  }
0x97: {  	_ =	strace $0x8FFFFFFF  }
0x98: {  	s19 =	sld [smem:$0x3FDB];
	_ =	sdelay $0x1  }
0x99: {  	s4 =	simm.s32 $_scs_section_size  }
0x9a: {  	s5 =	simm.s32 $_size__tile_overlayer_lowered;
	s6 =	simm.s32 $_tile_overlayer_lowered  }
0x9b: {  	s22 =	simm.s32 $0x1BFF;
	s21 =	sshll.u32 s6, $0x1;
	s3 =	sadd.s32 s4, s19  }
0x9c: {  	s7 =	simm.s32 $0x0;
	s20 =	sshll.u32 s5, $0x1;
	s5 =	sadd.s32 s21, s3  }
0x9d: {  	[timem:s7], [sflag:s22] =	dma.local [hbm:s5], s20  }
0x9e: {  	_ =	swait.ge [sflag:s22], s20  }
0x9f: {  	s4 =	ssub.s32 $0x0, s20;
	[sflag:s22] =	ssyncset.done $0x0  }
0xa0: {  	[sflag:s22] =	ssyncadd.s32 s4;
	_ =	sdelay $0x1  }
0xa1: {  	s23 =	simm.s32 $0x1B8B  }
0xa2: {  	_ =	swait.ge [sflag:s23], $0x1  }
0xa3: {  	[sflag:s23] =	ssyncset.done $0x0  }
0xa4: {  	s25 =	simm.s32 $0x1B8E;
	s24 =	sld [smem:$0x3FFE];
	[sflag:s23] =	ssyncadd.s32 $0xFFFFFFFF  }
0xa5: {  	s26 =	simm.s32 $execute0_lowered;
	[smem:$0x3FD2] =	sst s25  }
0xa6: {  	s5 =	sshll.u32 s26, $0x1;
	_ =	strace $0x80000046;
	[dreg:$0x1] =	wrdreg $0xFFFFFFFF  }
0xa7: {  	s28 =	simm.s32 $_size_execute0_lowered;
	s3 =	sadd.s32 s3, s5;
	[dreg:$0x0] =	wrdreg $0x0  }
0xa8: {  	s5 =	sshll.u32 s28, $0x1;
	[dreg:$0x2] =	wrdreg s3  }
0xa9: {  	[dreg:$0x3] =	wrdreg s5  }
0xaa: {  	[dreg:$0x4] =	wrdreg $0xC0  }
0xab: {  	_ =	task [dreg:s7], $0x5FFFF  }
0xac: {  	[dreg:$0x1] =	wrdreg $0xFFFFFFFF  }
0xad: {  	[dreg:$0x0] =	wrdreg $0x60  }
0xae: {  	[dreg:$0x2] =	wrdreg s2  }
0xaf: {  	[dreg:$0x3] =	wrdreg s24  }
0xb0: {  	[dreg:$0x4] =	wrdreg $0x2B000  }
0xb1: {  	[dreg:$0x5] =	wrdreg $0x9  }
0xb2: {  	_ =	task.clear_ibuf [dreg:s7], $0x6FFFF;
	_ =	strace $0x90000046  }
0xb3: {  	s29 =	simm.s32 $0x9;
	_ =	strace $0x80000048  }
0xb4: {  	_ =	swait.ge [sflag:s29], $0x1  }
0xb5: {  	[sflag:s29] =	ssyncadd.s32 $0xFFFFFFFF  }
0xb6: {  	_ =	strace $0x90000048  }
0xb7: {  	_ =	sfence  }
0xb8: {  	s30 =	sld [smem:$0x0];
	_ =	sdelay $0x2  }
0xb9: {  	s31 =	sshll.u32 s1, $0xD;
	s1 =	sshrl.u32 s1, $0x2  }
0xba: {  	s3 =	sand.u32 $0x4000, s31;
	s1 =	sadd.s32 s1, s30  }
0xbb: {  	s0 =	sor.u32 s3, s0;
	s1 =	sshll.u32 s1, $0x11  }
0xbc: {  	s0 =	sor.u32 s1, s0  }
0xbd: {  	s0 =	sadd.s32 $0x8F2B, s0  }
0xbe: {  	[sflag:s0] =	ssyncadd.remote.s32 $0x1  }
0xbf: {  	_ =	sfence.sel $0xFFFF  }
0xc0: {  	[dreg:$0x0] =	wrdreg $0xFFFFFFFF;
	(pc) =	sbr.abs _section_cstart, $3  }
0xc1: {  	[dreg:$0x1] =	wrdreg $0xFFFFFFFF  }
0xc2: {  	_ =	task.clear_ibuf [dreg:s7], $0x2FFFF;
	_ =	strace $0x9FFFFFFF  }
0xc3: {  	(tm) =	ssettm $0x7FFFFFFF  }
tec
execute0_lowered:
.L_overlay_start_1:
0x0: {  	(tag) =	ssettag $0x1  }
0x1: {  	s4 =	rddreg [dreg:$0x0]  }
0x2: {  	s5 =	rddreg [dreg:$0x1];
	s1 =	srdreg.scid  }
0x3: {  	s0 =	stileid.u32;
	s2 =	rddreg [dreg:$0x2];
	s3 =	simm.s32 $0x0  }
0x4: {  	s11 =	simm.s32 $0x2800;
	s6 =	sand.u32 $0x1, s1;
	s1 =	rddreg [dreg:$0x3]  }
0x5: {  	s14 =	simm.s32 $0x0;
	s7 =	smul.u32 $0x280, s0;
	[smem:$0x7FF] =	sst s3  }
0x6: {  	s12 =	sshll.u32 s0, $0x6;
	s8 =	smul.u32 $0x2800, s6;
	s9 =	sshll.u32 s6, $0x4  }
0x7: {  	s6 =	ssub.s32 $0x2, s6;
	_ =	strace $0x80000047;
	s9 =	sor.u32 s0, s9  }
0x8: {  	s10 =	sshrl.u32 s6, $0x1;
	s8 =	sadd.s32 s7, s8;
	s9 =	smul.u32 $0x500, s9  }
0x9: {  	s12 =	sor.u32 $0x1C01, s12;
	s10 =	ssub.s32 s6, s10;
	s8 =	sshrl.u32 s8, $0x3  }
0xa: {  	s8 =	sadd.s32 s8, s5;
	s4 =	sadd.s32 s4, s9;
	s5 =	sadd.s32 s7, s2  }
0xb: {  	s7 =	smax.u32 s10, $0x1;
	s9 =	simm.s32 $0x2880;
	s10 =	simm.s32 $0x80  }
0xc: {  	v0 =	vimm.f32 $1.000000000e+00;
	v1 =	vimm.f32 $0.0e+00;
	s6 =	sadd.s32 $0x2C00, s8;
	s8 =	simm.s32 $0x1;
	s13 =	sshrl.u32 s5, $0x3  }
.LBB2_1:
0xd: {  	[tilespmem:s3], [sflag:$0x1] =	stream.linear.gather [hbm4b:s4+s3], $0x2780, $0x38;
	[tilespmem:$0x2D80] =	vst v63  }
0xe: {  	_ =	swait.ge [sflag:s8], $0x2780  }
0xf: {  	[sflag:s8] =	ssyncset.done $0x0  }
0x10: {  	[sflag:s8] =	ssyncadd.s32 $0xFFFFD880  }
0x11: {  	[tilespmem:$0x2800] =	vst v0  }
0x12: {  	[tilespmem:$0x2810] =	vst v0  }
0x13: {  	[tilespmem:$0x2820] =	vst v0  }
0x14: {  	[tilespmem:$0x2830] =	vst v0  }
0x15: {  	[tilespmem:$0x2840] =	vst v0  }
0x16: {  	[tilespmem:$0x2850] =	vst v0  }
0x17: {  	[tilespmem:$0x2860] =	vst v0  }
0x18: {  	[tilespmem:$0x2870] =	vst v0  }
0x19: {  	[tilespmem:$0x2880] =	vst v1  }
0x1a: {  	[tilespmem:$0x2890] =	vst v1  }
0x1b: {  	[tilespmem:$0x28A0] =	vst v1  }
0x1c: {  	[tilespmem:$0x28B0] =	vst v1  }
0x1d: {  	[tilespmem:$0x28C0] =	vst v1  }
0x1e: {  	[tilespmem:$0x28D0] =	vst v1  }
0x1f: {  	[tilespmem:$0x28E0] =	vst v1  }
0x20: {  	[tilespmem:$0x28F0] =	vst v1  }
0x21: {  	[tilespmem:$0x2900] =	vst v1  }
0x22: {  	[tilespmem:$0x2910] =	vst v1  }
0x23: {  	[tilespmem:$0x2920] =	vst v1  }
0x24: {  	[tilespmem:$0x2930] =	vst v1  }
0x25: {  	[tilespmem:$0x2940] =	vst v1  }
0x26: {  	[tilespmem:$0x2950] =	vst v1  }
0x27: {  	[tilespmem:$0x2960] =	vst v1  }
0x28: {  	[tilespmem:$0x2970] =	vst v1  }
0x29: {  	[tilespmem:$0x2980] =	vst v1  }
0x2a: {  	[tilespmem:$0x2990] =	vst v1  }
0x2b: {  	[tilespmem:$0x29A0] =	vst v1  }
0x2c: {  	[tilespmem:$0x29B0] =	vst v1  }
0x2d: {  	[tilespmem:$0x29C0] =	vst v1  }
0x2e: {  	[tilespmem:$0x29D0] =	vst v1  }
0x2f: {  	[tilespmem:$0x29E0] =	vst v1  }
0x30: {  	[tilespmem:$0x29F0] =	vst v1  }
0x31: {  	[tilespmem:$0x2A00] =	vst v1  }
0x32: {  	[tilespmem:$0x2A10] =	vst v1  }
0x33: {  	[tilespmem:$0x2A20] =	vst v1  }
0x34: {  	[tilespmem:$0x2A30] =	vst v1  }
0x35: {  	[tilespmem:$0x2A40] =	vst v1  }
0x36: {  	[tilespmem:$0x2A50] =	vst v1  }
0x37: {  	[tilespmem:$0x2A60] =	vst v1  }
0x38: {  	[tilespmem:$0x2A70] =	vst v1  }
0x39: {  	[tilespmem:$0x2A80] =	vst v1  }
0x3a: {  	[tilespmem:$0x2A90] =	vst v1  }
0x3b: {  	[tilespmem:$0x2AA0] =	vst v1  }
0x3c: {  	[tilespmem:$0x2AB0] =	vst v1  }
0x3d: {  	[tilespmem:$0x2AC0] =	vst v1  }
0x3e: {  	[tilespmem:$0x2AD0] =	vst v1  }
0x3f: {  	[tilespmem:$0x2AE0] =	vst v1  }
0x40: {  	[tilespmem:$0x2AF0] =	vst v1  }
0x41: {  	[spmem:s5] =	stream.linear.scatter [tilespmem:s9], [sflag:$0x1], $0x280, $0x38;
	[tilespmem:$0x2D80] =	vst v63  }
0x42: {  	_ =	swait.ge [sflag:s8], $0x280  }
0x43: {  	[sflag:s8] =	ssyncset.done $0x0  }
0x44: {  	[sflag:s8] =	ssyncadd.s32 $0xFFFFFD80  }
0x45: {  	s15 =	simm.s32 $0x0;
	[bflag:$0x0] =	sbarrier.arrive $0xFFFF  }
0x46: {  	[spmem:s2] =	stream.indirect.scatter.add.f32 [tilespmem:s11], [sflag:$0x1], $0x1, s15, s10, $0xb8;
	[tilespmem:$0x2D80] =	vst v63  }
0x47: {  	_ =	swait.ge [sflag:s8], $0x80  }
0x48: {  	s15 =	simm.s32 $0x200;
	[sflag:s8] =	ssyncset.done $0x0  }
.LBB2_2:
0x49: {  	s16 =	sshra.s32 s15, $0x2;
	[sflag:s8] =	ssyncadd.s32 $0xFFFFFF80;
	p0 =	sne.s32 s15, $0x9C00  }
0x4a: {  	[spmem:s2] =	stream.indirect.scatter.add.f32 [tilespmem:s11], [sflag:$0x1], $0x1, s16, s10, $0xb8;
	[tilespmem:$0x2D80] =	vst v63  }
.Ltmp0:
0x4b: {  	_ = 	snop;
	(pc) =	sbr.rel @p0 .LBB2_2-.Ltmp0, $4  }
0x4c: {  	_ = 	snop  }
0x4d: {  	s15 =	sadd.s32 $0x200, s15  }
0x4e: {  	_ =	swait.ge [sflag:s8], $0x80  }
0x4f: {  	[sflag:s8] =	ssyncset.done $0x0  }
0x50: {  	s14 =	sadd.s32 $0x1, s14  }
0x51: {  	[sflag:s8] =	ssyncadd.s32 $0xFFFFFF80;
	p0 =	sne.s32 s14, s7  }
.Ltmp1:
0x52: {  	[bflag:$0x0] =	sbarrier.arrive $0xFFFF;
	(pc) =	sbr.rel @p0 .LBB2_1-.Ltmp1, $4  }
0x53: {  	[hbm:s6], [sflag:s12] =	dma.local [spmem:s13], $0x50  }
0x54: {  	_ =	swait.ge [sflag:s8], $0x50  }
0x55: {  	[sflag:s8] =	ssyncset.done $0x0  }
0x56: {  	[sflag:s8] =	ssyncadd.s32 $0xFFFFFFB0  }
0x57: {  	_ =	sfence.sel $0x180000  }
0x58: {  	[bflag:$0x0] =	sbarrier.arrive $0xFFFF  }
0x59: {  	p0 =	sne.s32 s0, $0x0;
	_ =	strace $0x90000047  }
0x5a: {  	s0 =	sadd.s32 @!p0 $0x100000, s1;
	[bflag:$0x2] =	sbarrier.arrive $0xFFFF  }
0x5b: {  	[sflag:s0] =	ssyncadd.tile.s32 @!p0 $0x1;
	_ =	shalt  }
.Lfunc_end2:
_tile_overlayer_lowered:
.L_overlay_start_2:
0x5c: {  	(tag) =	ssettag $0x2  }
0x5d: {  	s0 =	rddreg [dreg:$0x0];
	s2 =	stileid.u32  }
0x5e: {  	s1 =	rddreg [dreg:$0x1];
	p0 =	sne.s32 s2, $0x0  }
0x5f: {  	s3 =	rddreg [dreg:$0x2];
	[bflag:$0x3] =	sbarrier.arrive $0xFFFF;
	s2 =	simm.s32 @!p0 $0x1C01  }
0x60: {  	[timem:s3], [sflag:s2] =	dma.local @!p0 [hbm:s0], s1  }
0x61: {  	s0 =	simm.s32 @!p0 $0x1  }
0x62: {  	_ =	swait.ge @!p0 [sflag:s0], s1  }
0x63: {  	s1 =	ssub.s32 @!p0 $0x0, s1;
	[sflag:s0] =	ssyncset.done @!p0 $0x0  }
0x64: {  	[sflag:s0] =	ssyncadd.s32 @!p0 s1  }
0x65: {  	[bflag:$0x3] =	sbarrier.arrive $0xFFFF  }
0x66: {  	_ =	shalt  }

</sc_bundles>
